<compile_context>
chip_gen: v7x
topology: tpu7x:2x2x1
jax: 0.10.2.dev20260603
libtpu: 0.0.44.dev20260713+nightly
codegen_flags: <defaults>
</compile_context>

<pallas_src>
import functools

import jax
import jax.numpy as jnp
from jax import lax
from jax.experimental import pallas as pl
from jax.experimental.pallas import tpu as pltpu
from jax.experimental.pallas import tpu_sc as plsc

N_CODES = 8192
N_TOKENS = 8192
DIM = 256
TOK_BLK = 1024
N_BLOCKS = N_TOKENS // TOK_BLK


def _argmin_body(x_ref, e_ref, sx_ref, se_ref, codes_ref):
    m = lax.dot_general(
        x_ref[...], e_ref[...], (((1,), (1,)), ((), ())),
        preferred_element_type=jnp.float32)
    d = (sx_ref[...] - 2.0 * m) + se_ref[...]
    mn = jnp.min(d, axis=1, keepdims=True)
    io = lax.broadcasted_iota(jnp.int32, d.shape, 1)
    idx = jnp.min(jnp.where(d == mn, io, jnp.int32(2**30)), axis=1,
                  keepdims=True)
    codes_ref[...] = idx


def _argmin_call(x_bf, emb_bf, sx, se, interpret=False):
    return pl.pallas_call(
        _argmin_body,
        grid=(N_BLOCKS,),
        in_specs=[
            pl.BlockSpec((TOK_BLK, DIM), lambda i: (i, 0)),
            pl.BlockSpec((N_CODES, DIM), lambda i: (0, 0)),
            pl.BlockSpec((TOK_BLK, 1), lambda i: (i, 0)),
            pl.BlockSpec((1, N_CODES), lambda i: (0, 0)),
        ],
        out_specs=pl.BlockSpec((TOK_BLK, 1), lambda i: (i, 0)),
        out_shape=jax.ShapeDtypeStruct((N_TOKENS, 1), jnp.int32),
        interpret=interpret,
    )(x_bf, emb_bf, sx, se)


_SC_WORKERS = 32
_B_PER_W = N_TOKENS // _SC_WORKERS


_IDX_CHUNK = 128
_N_CHUNKS = _B_PER_W // _IDX_CHUNK


def _sc_gather_count(emb, idx):
    mesh = plsc.VectorSubcoreMesh(core_axis_name="c", subcore_axis_name="s")

    @functools.partial(
        pl.kernel,
        out_type=[
            jax.ShapeDtypeStruct((N_TOKENS, DIM), jnp.float32),
            jax.ShapeDtypeStruct((2, N_CODES), jnp.float32),
        ],
        mesh=mesh,
        scratch_types=[
            pltpu.VMEM((_N_CHUNKS, _IDX_CHUNK), jnp.int32),
            pltpu.VMEM((_B_PER_W, DIM), jnp.float32),
            pltpu.VMEM((_IDX_CHUNK,), jnp.float32),
            pltpu.VMEM((1024,), jnp.float32),
            pltpu.VMEM_SHARED((N_CODES,), jnp.float32),
            pltpu.SemaphoreType.DMA,
        ],
    )
    def k(emb_hbm, idx_hbm, quant_hbm, pcnt_hbm,
          idx_v, rows_v, ones_v, zero_v, cnt_sh, sem):
        nc = 2
        cid = lax.axis_index("c")
        sid = lax.axis_index("s")
        wid = sid * nc + cid
        base = wid * _B_PER_W
        for j in range(_N_CHUNKS):
            pltpu.sync_copy(idx_hbm.at[pl.ds(base + j * _IDX_CHUNK,
                                             _IDX_CHUNK)], idx_v.at[j])
        cps = [
            pltpu.async_copy(emb_hbm.at[idx_v.at[j]],
                             rows_v.at[pl.ds(j * _IDX_CHUNK, _IDX_CHUNK)],
                             sem)
            for j in range(_N_CHUNKS)
        ]
        for c in cps:
            c.wait()
        pltpu.sync_copy(rows_v, quant_hbm.at[pl.ds(base, _B_PER_W)])

        def fill16(ref, n, value):
            def body(i, carry):
                ref[pl.ds(i * 16, 16)] = jnp.full((16,), value, jnp.float32)
                return carry
            lax.fori_loop(0, n // 16, body, 0)

        fill16(ones_v, _IDX_CHUNK, 1.0)

        @pl.when(sid == 0)
        def _():
            fill16(zero_v, 1024, 0.0)
            for t in range(N_CODES // 1024):
                pltpu.sync_copy(zero_v, cnt_sh.at[pl.ds(t * 1024, 1024)])

        plsc.subcore_barrier()
        for j in range(_N_CHUNKS):
            pltpu.sync_copy(ones_v, cnt_sh.at[idx_v.at[j]], add=True)
        plsc.subcore_barrier()

        @pl.when(sid == 0)
        def _():
            pltpu.sync_copy(cnt_sh, pcnt_hbm.at[cid])

    return k(emb, idx)


def _final_body(x_ref, q_ref, pc_ref, diff_ref, ppl_ref):
    dlt = q_ref[...] - x_ref[...]
    diff_ref[...] = (jnp.sum(dlt * dlt, keepdims=True)
                     / jnp.float32(N_TOKENS * DIM))
    counts = jnp.sum(pc_ref[...], axis=0, keepdims=True)
    avg = counts / jnp.sum(counts)
    ppl_ref[...] = -jnp.sum(avg * jnp.log(avg + 1e-5), keepdims=True)


def _final_call(x, q, pcnt, interpret=False):
    return pl.pallas_call(
        _final_body,
        out_shape=[
            jax.ShapeDtypeStruct((1, 1), jnp.float32),
            jax.ShapeDtypeStruct((1, 1), jnp.float32),
        ],
        interpret=interpret,
    )(x, q, pcnt)


def kernel(x, embedding):
    sx = jnp.sum(x * x, axis=1).reshape(N_TOKENS, 1)
    se = jnp.sum(embedding * embedding, axis=1).reshape(1, N_CODES)
    codes = _argmin_call(x.astype(jnp.bfloat16),
                         embedding.astype(jnp.bfloat16),
                         sx, se)
    q, pcnt = _sc_gather_count(embedding, codes.reshape(N_TOKENS))
    diff, ppl = _final_call(x, q, pcnt)
    return q, diff.reshape(()), codes, ppl.reshape(())

# --- scband reference (transcript-rebuilt; emitter-appended) ---
"""Pipeline reference for scband-vector-quantize-ema-36309653520519 (READ-ONLY COPY).

The authoritative reference and input builder live on the scoring server;
editing this copy changes nothing except your own understanding.
"""

import jax, jax.numpy as jnp
import numpy as np

N_CODES = 8192
N_GROUPS = 1
DIM = 256  # d_latent // n_groups


def setup_inputs(seed: int = 0) -> dict:
    key = jax.random.key(seed)
    k1, k2 = jax.random.split(key)
    x = jax.random.normal(k1, (8192, N_GROUPS * DIM), dtype=jnp.float32)
    embedding = jax.random.normal(k2, (N_CODES, DIM), dtype=jnp.float32)
    return {"x": x, "embedding": embedding}


def reference(x, embedding):
    # eval-mode forward of VectorQuantizeEMA (no EMA buffer updates)
    x_ = x.reshape(-1, DIM)
    emb_t = embedding.T  # [DIM, N_CODES]
    distance = (jnp.sum(x_ ** 2, axis=1, keepdims=True)
                - 2.0 * (x_ @ emb_t)
                + jnp.sum(emb_t ** 2, axis=0, keepdims=True))
    embed_idx = jnp.argmax(-distance, axis=1)  # [N]
    quantize = jnp.take(embedding, embed_idx, axis=0).reshape(-1, N_GROUPS * DIM)
    diff = jnp.mean((jax.lax.stop_gradient(quantize) - x) ** 2)
    quantize = x + jax.lax.stop_gradient(quantize - x)  # straight-through
    codes = embed_idx.reshape(-1, N_GROUPS)
    # perplexity: equivalent to one_hot(embed_idx).sum(0) normalized
    counts = jnp.bincount(embed_idx, length=N_CODES).astype(x.dtype)
    avg_pr = counts / jnp.sum(counts)
    ppl = -jnp.sum(avg_pr * jnp.log(avg_pr + 1e-5))
    return quantize, diff, codes, ppl

if __name__ == "__main__":
    import jax
    _d = setup_inputs()
    print(jax.jit(kernel)(*tuple(_d.values())))

</pallas_src>

<mosaic_0001>
#map = affine_map<(d0, d1) -> (0, 0)>
#map1 = affine_map<(d0, d1) -> (0)>
module attributes {stable_mosaic.version = 14 : i64} {
  func.func @k(%arg0: i32, %arg1: i32, %arg2: memref<8192x256xf32, #tpu.memory_space<hbm>>, %arg3: memref<8192xi32, #tpu.memory_space<hbm>>, %arg4: memref<8192x256xf32, #tpu.memory_space<hbm>>, %arg5: memref<2x8192xf32, #tpu.memory_space<hbm>>, %arg6: memref<2x128xi32, #tpu.memory_space<vmem>>, %arg7: memref<256x256xf32, #tpu.memory_space<vmem>>, %arg8: memref<128xf32, #tpu.memory_space<vmem>>, %arg9: memref<1024xf32, #tpu.memory_space<vmem>>, %arg10: memref<8192xf32, #tpu.memory_space<vmem_shared>>, %arg11: memref<!tpu.dma_semaphore, #tpu.memory_space<semaphore_mem>>) attributes {dimension_semantics = [#tpu.dimension_semantics<core_parallel>, #tpu.dimension_semantics<subcore_parallel>], iteration_bounds = array<i64: 2, 16>, scalar_prefetch = 0 : i64, scratch_operands = 6 : i64, tpu.core_type = #tpu.core_type<sc_vector_subcore>, window_params = [{transform_indices = #map}, {transform_indices = #map1}, {transform_indices = #map}, {transform_indices = #map}]} {
    %mul3A = arith.constant 2 : i32
    %mul3A_0 = arith.muli %arg1, %mul3A : i32
    %add3A = arith.addi %mul3A_0, %arg0 : i32
    %mul3A_1 = arith.constant 256 : i32
    %mul3A_2 = arith.muli %add3A, %mul3A_1 : i32
    %add3A_3 = arith.constant 0 : i32
    %add3A_4 = arith.addi %mul3A_2, %add3A_3 : i32
    %run_scoped3A = arith.constant 0 : i32
    "tpu.region"() ({
      %run_scoped3A_61 = tpu.sem_alloc : memref<!tpu.dma_semaphore, #tpu.memory_space<semaphore_mem>>
      %dma_start3A_62 = arith.constant 0 : i32
      %dma_start3A_63 = tpu.memref_slice %arg6[%run_scoped3A, %dma_start3A_62] : memref<2x128xi32, #tpu.memory_space<vmem>> -> memref<1x128xi32, #tpu.memory_space<vmem>>
      %dma_start3A_64 = tpu.memref_squeeze %dma_start3A_63 : memref<1x128xi32, #tpu.memory_space<vmem>> -> memref<128xi32, #tpu.memory_space<vmem>>
      %dma_start3A_65 = tpu.memref_slice %arg3[%add3A_4] : memref<8192xi32, #tpu.memory_space<hbm>> -> memref<128xi32, #tpu.memory_space<hbm>>
      %dma_start3A_66 = arith.constant 0 : i32
      %dma_start3A_67 = tpu.memref_slice %arg6[%run_scoped3A, %dma_start3A_66] : memref<2x128xi32, #tpu.memory_space<vmem>> -> memref<1x128xi32, #tpu.memory_space<vmem>>
      %dma_start3A_68 = tpu.memref_squeeze %dma_start3A_67 : memref<1x128xi32, #tpu.memory_space<vmem>> -> memref<128xi32, #tpu.memory_space<vmem>>
      %dma_start3A_69 = tpu.memref_slice %arg3[%add3A_4] : memref<8192xi32, #tpu.memory_space<hbm>> -> memref<128xi32, #tpu.memory_space<hbm>>
      tpu.enqueue_dma source(%dma_start3A_69 : memref<128xi32, #tpu.memory_space<hbm>>) target(%dma_start3A_68 : memref<128xi32, #tpu.memory_space<vmem>>) target_semaphore(%run_scoped3A_61 : memref<!tpu.dma_semaphore, #tpu.memory_space<semaphore_mem>>)
      %dma_wait3A_70 = arith.constant 0 : i32
      %dma_wait3A_71 = tpu.memref_slice %arg6[%run_scoped3A, %dma_wait3A_70] : memref<2x128xi32, #tpu.memory_space<vmem>> -> memref<1x128xi32, #tpu.memory_space<vmem>>
      %dma_wait3A_72 = tpu.memref_squeeze %dma_wait3A_71 : memref<1x128xi32, #tpu.memory_space<vmem>> -> memref<128xi32, #tpu.memory_space<vmem>>
      %dma_wait3A_73 = tpu.memref_slice %arg3[%add3A_4] : memref<8192xi32, #tpu.memory_space<hbm>> -> memref<128xi32, #tpu.memory_space<hbm>>
      %dma_wait3A_74 = arith.constant 0 : i32
      %dma_wait3A_75 = tpu.memref_slice %arg6[%run_scoped3A, %dma_wait3A_74] : memref<2x128xi32, #tpu.memory_space<vmem>> -> memref<1x128xi32, #tpu.memory_space<vmem>>
      %dma_wait3A_76 = tpu.memref_squeeze %dma_wait3A_75 : memref<1x128xi32, #tpu.memory_space<vmem>> -> memref<128xi32, #tpu.memory_space<vmem>>
      %dma_wait3A_77 = tpu.memref_slice %arg3[%add3A_4] : memref<8192xi32, #tpu.memory_space<hbm>> -> memref<128xi32, #tpu.memory_space<hbm>>
      tpu.wait_dma2 semaphore(%run_scoped3A_61 : memref<!tpu.dma_semaphore, #tpu.memory_space<semaphore_mem>>) src(%dma_wait3A_77 : memref<128xi32, #tpu.memory_space<hbm>>) dst(%dma_wait3A_76 : memref<128xi32, #tpu.memory_space<vmem>>)
      tpu.yield
    }) : () -> ()
    %add3A_5 = arith.constant 128 : i32
    %add3A_6 = arith.addi %mul3A_2, %add3A_5 : i32
    %run_scoped3A_7 = arith.constant 1 : i32
    "tpu.region"() ({
      %run_scoped3A_61 = tpu.sem_alloc : memref<!tpu.dma_semaphore, #tpu.memory_space<semaphore_mem>>
      %dma_start3A_62 = arith.constant 0 : i32
      %dma_start3A_63 = tpu.memref_slice %arg6[%run_scoped3A_7, %dma_start3A_62] : memref<2x128xi32, #tpu.memory_space<vmem>> -> memref<1x128xi32, #tpu.memory_space<vmem>>
      %dma_start3A_64 = tpu.memref_squeeze %dma_start3A_63 : memref<1x128xi32, #tpu.memory_space<vmem>> -> memref<128xi32, #tpu.memory_space<vmem>>
      %dma_start3A_65 = tpu.memref_slice %arg3[%add3A_6] : memref<8192xi32, #tpu.memory_space<hbm>> -> memref<128xi32, #tpu.memory_space<hbm>>
      %dma_start3A_66 = arith.constant 0 : i32
      %dma_start3A_67 = tpu.memref_slice %arg6[%run_scoped3A_7, %dma_start3A_66] : memref<2x128xi32, #tpu.memory_space<vmem>> -> memref<1x128xi32, #tpu.memory_space<vmem>>
      %dma_start3A_68 = tpu.memref_squeeze %dma_start3A_67 : memref<1x128xi32, #tpu.memory_space<vmem>> -> memref<128xi32, #tpu.memory_space<vmem>>
      %dma_start3A_69 = tpu.memref_slice %arg3[%add3A_6] : memref<8192xi32, #tpu.memory_space<hbm>> -> memref<128xi32, #tpu.memory_space<hbm>>
      tpu.enqueue_dma source(%dma_start3A_69 : memref<128xi32, #tpu.memory_space<hbm>>) target(%dma_start3A_68 : memref<128xi32, #tpu.memory_space<vmem>>) target_semaphore(%run_scoped3A_61 : memref<!tpu.dma_semaphore, #tpu.memory_space<semaphore_mem>>)
      %dma_wait3A_70 = arith.constant 0 : i32
      %dma_wait3A_71 = tpu.memref_slice %arg6[%run_scoped3A_7, %dma_wait3A_70] : memref<2x128xi32, #tpu.memory_space<vmem>> -> memref<1x128xi32, #tpu.memory_space<vmem>>
      %dma_wait3A_72 = tpu.memref_squeeze %dma_wait3A_71 : memref<1x128xi32, #tpu.memory_space<vmem>> -> memref<128xi32, #tpu.memory_space<vmem>>
      %dma_wait3A_73 = tpu.memref_slice %arg3[%add3A_6] : memref<8192xi32, #tpu.memory_space<hbm>> -> memref<128xi32, #tpu.memory_space<hbm>>
      %dma_wait3A_74 = arith.constant 0 : i32
      %dma_wait3A_75 = tpu.memref_slice %arg6[%run_scoped3A_7, %dma_wait3A_74] : memref<2x128xi32, #tpu.memory_space<vmem>> -> memref<1x128xi32, #tpu.memory_space<vmem>>
      %dma_wait3A_76 = tpu.memref_squeeze %dma_wait3A_75 : memref<1x128xi32, #tpu.memory_space<vmem>> -> memref<128xi32, #tpu.memory_space<vmem>>
      %dma_wait3A_77 = tpu.memref_slice %arg3[%add3A_6] : memref<8192xi32, #tpu.memory_space<hbm>> -> memref<128xi32, #tpu.memory_space<hbm>>
      tpu.wait_dma2 semaphore(%run_scoped3A_61 : memref<!tpu.dma_semaphore, #tpu.memory_space<semaphore_mem>>) src(%dma_wait3A_77 : memref<128xi32, #tpu.memory_space<hbm>>) dst(%dma_wait3A_76 : memref<128xi32, #tpu.memory_space<vmem>>)
      tpu.yield
    }) : () -> ()
    %dma_start3A = arith.constant 0 : i32
    %dma_start3A_8 = arith.constant 0 : i32
    %dma_start3A_9 = arith.constant 0 : i32
    %dma_start3A_10 = tpu.memref_slice %arg7[%dma_start3A_8, %dma_start3A_9] : memref<256x256xf32, #tpu.memory_space<vmem>> -> memref<128x256xf32, #tpu.memory_space<vmem>>
    %dma_start3A_11 = arith.constant 0 : i32
    %dma_start3A_12 = tpu.memref_slice %arg6[%dma_start3A, %dma_start3A_11] : memref<2x128xi32, #tpu.memory_space<vmem>> -> memref<1x128xi32, #tpu.memory_space<vmem>>
    %dma_start3A_13 = tpu.memref_squeeze %dma_start3A_12 : memref<1x128xi32, #tpu.memory_space<vmem>> -> memref<128xi32, #tpu.memory_space<vmem>>
    %dma_start3A_14 = arith.constant 0 : i32
    %dma_start3A_15 = arith.constant 0 : i32
    %dma_start3A_16 = tpu.memref_slice %arg2[%dma_start3A_14, %dma_start3A_15] : memref<8192x256xf32, #tpu.memory_space<hbm>> -> memref<8192x256xf32, #tpu.memory_space<hbm>>
    tpu.enqueue_indirect_dma source(%dma_start3A_16 : memref<8192x256xf32, #tpu.memory_space<hbm>>) target(%dma_start3A_10 : memref<128x256xf32, #tpu.memory_space<vmem>>) offsets(%dma_start3A_13 : memref<128xi32, #tpu.memory_space<vmem>>) semaphore(%arg11 : memref<!tpu.dma_semaphore, #tpu.memory_space<semaphore_mem>>)
    %dma_start3A_17 = arith.constant 1 : i32
    %dma_start3A_18 = arith.constant 128 : i32
    %dma_start3A_19 = arith.constant 0 : i32
    %dma_start3A_20 = tpu.memref_slice %arg7[%dma_start3A_18, %dma_start3A_19] : memref<256x256xf32, #tpu.memory_space<vmem>> -> memref<128x256xf32, #tpu.memory_space<vmem>>
    %dma_start3A_21 = arith.constant 0 : i32
    %dma_start3A_22 = tpu.memref_slice %arg6[%dma_start3A_17, %dma_start3A_21] : memref<2x128xi32, #tpu.memory_space<vmem>> -> memref<1x128xi32, #tpu.memory_space<vmem>>
    %dma_start3A_23 = tpu.memref_squeeze %dma_start3A_22 : memref<1x128xi32, #tpu.memory_space<vmem>> -> memref<128xi32, #tpu.memory_space<vmem>>
    %dma_start3A_24 = arith.constant 0 : i32
    %dma_start3A_25 = arith.constant 0 : i32
    %dma_start3A_26 = tpu.memref_slice %arg2[%dma_start3A_24, %dma_start3A_25] : memref<8192x256xf32, #tpu.memory_space<hbm>> -> memref<8192x256xf32, #tpu.memory_space<hbm>>
    tpu.enqueue_indirect_dma source(%dma_start3A_26 : memref<8192x256xf32, #tpu.memory_space<hbm>>) target(%dma_start3A_20 : memref<128x256xf32, #tpu.memory_space<vmem>>) offsets(%dma_start3A_23 : memref<128xi32, #tpu.memory_space<vmem>>) semaphore(%arg11 : memref<!tpu.dma_semaphore, #tpu.memory_space<semaphore_mem>>)
    %dma_wait3A = arith.constant 0 : i32
    %dma_wait3A_27 = arith.constant 0 : i32
    %dma_wait3A_28 = arith.constant 0 : i32
    %dma_wait3A_29 = tpu.memref_slice %arg7[%dma_wait3A_27, %dma_wait3A_28] : memref<256x256xf32, #tpu.memory_space<vmem>> -> memref<128x256xf32, #tpu.memory_space<vmem>>
    %dma_wait3A_30 = arith.constant 0 : i32
    %dma_wait3A_31 = tpu.memref_slice %arg6[%dma_wait3A, %dma_wait3A_30] : memref<2x128xi32, #tpu.memory_space<vmem>> -> memref<1x128xi32, #tpu.memory_space<vmem>>
    %dma_wait3A_32 = tpu.memref_squeeze %dma_wait3A_31 : memref<1x128xi32, #tpu.memory_space<vmem>> -> memref<128xi32, #tpu.memory_space<vmem>>
    %dma_wait3A_33 = arith.constant 0 : i32
    %dma_wait3A_34 = arith.constant 0 : i32
    %dma_wait3A_35 = tpu.memref_slice %arg2[%dma_wait3A_33, %dma_wait3A_34] : memref<8192x256xf32, #tpu.memory_space<hbm>> -> memref<8192x256xf32, #tpu.memory_space<hbm>>
    tpu.wait_indirect_dma semaphore(%arg11 : memref<!tpu.dma_semaphore, #tpu.memory_space<semaphore_mem>>) src(%dma_wait3A_35 : memref<8192x256xf32, #tpu.memory_space<hbm>>) dst(%dma_wait3A_29 : memref<128x256xf32, #tpu.memory_space<vmem>>)
    %dma_wait3A_36 = arith.constant 1 : i32
    %dma_wait3A_37 = arith.constant 128 : i32
    %dma_wait3A_38 = arith.constant 0 : i32
    %dma_wait3A_39 = tpu.memref_slice %arg7[%dma_wait3A_37, %dma_wait3A_38] : memref<256x256xf32, #tpu.memory_space<vmem>> -> memref<128x256xf32, #tpu.memory_space<vmem>>
    %dma_wait3A_40 = arith.constant 0 : i32
    %dma_wait3A_41 = tpu.memref_slice %arg6[%dma_wait3A_36, %dma_wait3A_40] : memref<2x128xi32, #tpu.memory_space<vmem>> -> memref<1x128xi32, #tpu.memory_space<vmem>>
    %dma_wait3A_42 = tpu.memref_squeeze %dma_wait3A_41 : memref<1x128xi32, #tpu.memory_space<vmem>> -> memref<128xi32, #tpu.memory_space<vmem>>
    %dma_wait3A_43 = arith.constant 0 : i32
    %dma_wait3A_44 = arith.constant 0 : i32
    %dma_wait3A_45 = tpu.memref_slice %arg2[%dma_wait3A_43, %dma_wait3A_44] : memref<8192x256xf32, #tpu.memory_space<hbm>> -> memref<8192x256xf32, #tpu.memory_space<hbm>>
    tpu.wait_indirect_dma semaphore(%arg11 : memref<!tpu.dma_semaphore, #tpu.memory_space<semaphore_mem>>) src(%dma_wait3A_45 : memref<8192x256xf32, #tpu.memory_space<hbm>>) dst(%dma_wait3A_39 : memref<128x256xf32, #tpu.memory_space<vmem>>)
    "tpu.region"() ({
      %run_scoped3A_61 = tpu.sem_alloc : memref<!tpu.dma_semaphore, #tpu.memory_space<semaphore_mem>>
      %dma_start3A_62 = arith.constant 0 : i32
      %dma_start3A_63 = tpu.memref_slice %arg4[%mul3A_2, %dma_start3A_62] : memref<8192x256xf32, #tpu.memory_space<hbm>> -> memref<256x256xf32, #tpu.memory_space<hbm>>
      %dma_start3A_64 = arith.constant 0 : i32
      %dma_start3A_65 = tpu.memref_slice %arg4[%mul3A_2, %dma_start3A_64] : memref<8192x256xf32, #tpu.memory_space<hbm>> -> memref<256x256xf32, #tpu.memory_space<hbm>>
      tpu.enqueue_dma source(%arg7 : memref<256x256xf32, #tpu.memory_space<vmem>>) target(%dma_start3A_65 : memref<256x256xf32, #tpu.memory_space<hbm>>) target_semaphore(%run_scoped3A_61 : memref<!tpu.dma_semaphore, #tpu.memory_space<semaphore_mem>>)
      %dma_wait3A_66 = arith.constant 0 : i32
      %dma_wait3A_67 = tpu.memref_slice %arg4[%mul3A_2, %dma_wait3A_66] : memref<8192x256xf32, #tpu.memory_space<hbm>> -> memref<256x256xf32, #tpu.memory_space<hbm>>
      %dma_wait3A_68 = arith.constant 0 : i32
      %dma_wait3A_69 = tpu.memref_slice %arg4[%mul3A_2, %dma_wait3A_68] : memref<8192x256xf32, #tpu.memory_space<hbm>> -> memref<256x256xf32, #tpu.memory_space<hbm>>
      tpu.wait_dma2 semaphore(%run_scoped3A_61 : memref<!tpu.dma_semaphore, #tpu.memory_space<semaphore_mem>>) src(%arg7 : memref<256x256xf32, #tpu.memory_space<vmem>>) dst(%dma_wait3A_69 : memref<256x256xf32, #tpu.memory_space<hbm>>)
      tpu.yield
    }) : () -> ()
    %scan3A = arith.constant 0 : i32
    %scan3A_46 = arith.constant 0 : i32
    %scan3A_47 = arith.constant 8 : i32
    %scan3A_48 = arith.addi %scan3A_46, %scan3A_47 : i32
    %scan3A_49 = arith.constant 1 : i32
    scf.for %scan3A_61 = %scan3A_46 to %scan3A_48 step %scan3A_49  : i32 {
      %broadcast_in_dim3A = arith.constant 1.000000e+00 : f32
      %broadcast_in_dim3A_62 = vector.broadcast %broadcast_in_dim3A : f32 to vector<16xf32>
      %mul3A_63 = arith.constant 16 : i32
      %mul3A_64 = arith.muli %scan3A_61, %mul3A_63 : i32
      %swap3A = arith.index_cast %mul3A_64 : i32 to index
      %swap3A_65 = tpu.vector_load %arg8[%swap3A] {strides = array<i32>} : memref<128xf32, #tpu.memory_space<vmem>>, vector<16xf32>,
      %swap3A_66 = vector.shape_cast %swap3A_65 : vector<16xf32> to vector<16xf32>
      %swap3A_67 = vector.shape_cast %broadcast_in_dim3A_62 : vector<16xf32> to vector<16xf32>
      tpu.vector_store %arg8[%swap3A], %swap3A_67 {strides = array<i32>} : memref<128xf32, #tpu.memory_space<vmem>>, vector<16xf32>,
    }
    %scan3A_50 = arith.constant 8 : i32
    %eq3A = arith.constant 0 : i32
    %eq3A_51 = arith.cmpi eq, %arg1, %eq3A : i32
    %convert_element_type3A = arith.extui %eq3A_51 : i1 to i32
    %cond3A = arith.constant 0 : i32
    %cond3A_52 = arith.cmpi ne, %convert_element_type3A, %cond3A : i32
    scf.if %cond3A_52 {
      %scan3A_61 = arith.constant 0 : i32
      %scan3A_62 = arith.constant 0 : i32
      %scan3A_63 = arith.constant 64 : i32
      %scan3A_64 = arith.addi %scan3A_62, %scan3A_63 : i32
      %scan3A_65 = arith.constant 1 : i32
      scf.for %scan3A_67 = %scan3A_62 to %scan3A_64 step %scan3A_65  : i32 {
        %broadcast_in_dim3A = arith.constant 0.000000e+00 : f32
        %broadcast_in_dim3A_68 = vector.broadcast %broadcast_in_dim3A : f32 to vector<16xf32>
        %mul3A_69 = arith.constant 16 : i32
        %mul3A_70 = arith.muli %scan3A_67, %mul3A_69 : i32
        %swap3A = arith.index_cast %mul3A_70 : i32 to index
        %swap3A_71 = tpu.vector_load %arg9[%swap3A] {strides = array<i32>} : memref<1024xf32, #tpu.memory_space<vmem>>, vector<16xf32>,
        %swap3A_72 = vector.shape_cast %swap3A_71 : vector<16xf32> to vector<16xf32>
        %swap3A_73 = vector.shape_cast %broadcast_in_dim3A_68 : vector<16xf32> to vector<16xf32>
        tpu.vector_store %arg9[%swap3A], %swap3A_73 {strides = array<i32>} : memref<1024xf32, #tpu.memory_space<vmem>>, vector<16xf32>,
      }
      %scan3A_66 = arith.constant 64 : i32
      "tpu.region"() ({
        %run_scoped3A_67 = tpu.sem_alloc : memref<!tpu.dma_semaphore, #tpu.memory_space<semaphore_mem>>
        %dma_start3A_68 = arith.constant 0 : i32
        %dma_start3A_69 = tpu.memref_slice %arg10[%dma_start3A_68] : memref<8192xf32, #tpu.memory_space<vmem_shared>> -> memref<1024xf32, #tpu.memory_space<vmem_shared>>
        %dma_start3A_70 = arith.constant 0 : i32
        %dma_start3A_71 = tpu.memref_slice %arg10[%dma_start3A_70] : memref<8192xf32, #tpu.memory_space<vmem_shared>> -> memref<1024xf32, #tpu.memory_space<vmem_shared>>
        tpu.enqueue_dma source(%arg9 : memref<1024xf32, #tpu.memory_space<vmem>>) target(%dma_start3A_71 : memref<1024xf32, #tpu.memory_space<vmem_shared>>) target_semaphore(%run_scoped3A_67 : memref<!tpu.dma_semaphore, #tpu.memory_space<semaphore_mem>>)
        %dma_wait3A_72 = arith.constant 0 : i32
        %dma_wait3A_73 = tpu.memref_slice %arg10[%dma_wait3A_72] : memref<8192xf32, #tpu.memory_space<vmem_shared>> -> memref<1024xf32, #tpu.memory_space<vmem_shared>>
        %dma_wait3A_74 = arith.constant 0 : i32
        %dma_wait3A_75 = tpu.memref_slice %arg10[%dma_wait3A_74] : memref<8192xf32, #tpu.memory_space<vmem_shared>> -> memref<1024xf32, #tpu.memory_space<vmem_shared>>
        tpu.wait_dma2 semaphore(%run_scoped3A_67 : memref<!tpu.dma_semaphore, #tpu.memory_space<semaphore_mem>>) src(%arg9 : memref<1024xf32, #tpu.memory_space<vmem>>) dst(%dma_wait3A_75 : memref<1024xf32, #tpu.memory_space<vmem_shared>>)
        tpu.yield
      }) : () -> ()
      "tpu.region"() ({
        %run_scoped3A_67 = tpu.sem_alloc : memref<!tpu.dma_semaphore, #tpu.memory_space<semaphore_mem>>
        %dma_start3A_68 = arith.constant 1024 : i32
        %dma_start3A_69 = tpu.memref_slice %arg10[%dma_start3A_68] : memref<8192xf32, #tpu.memory_space<vmem_shared>> -> memref<1024xf32, #tpu.memory_space<vmem_shared>>
        %dma_start3A_70 = arith.constant 1024 : i32
        %dma_start3A_71 = tpu.memref_slice %arg10[%dma_start3A_70] : memref<8192xf32, #tpu.memory_space<vmem_shared>> -> memref<1024xf32, #tpu.memory_space<vmem_shared>>
        tpu.enqueue_dma source(%arg9 : memref<1024xf32, #tpu.memory_space<vmem>>) target(%dma_start3A_71 : memref<1024xf32, #tpu.memory_space<vmem_shared>>) target_semaphore(%run_scoped3A_67 : memref<!tpu.dma_semaphore, #tpu.memory_space<semaphore_mem>>)
        %dma_wait3A_72 = arith.constant 1024 : i32
        %dma_wait3A_73 = tpu.memref_slice %arg10[%dma_wait3A_72] : memref<8192xf32, #tpu.memory_space<vmem_shared>> -> memref<1024xf32, #tpu.memory_space<vmem_shared>>
        %dma_wait3A_74 = arith.constant 1024 : i32
        %dma_wait3A_75 = tpu.memref_slice %arg10[%dma_wait3A_74] : memref<8192xf32, #tpu.memory_space<vmem_shared>> -> memref<1024xf32, #tpu.memory_space<vmem_shared>>
        tpu.wait_dma2 semaphore(%run_scoped3A_67 : memref<!tpu.dma_semaphore, #tpu.memory_space<semaphore_mem>>) src(%arg9 : memref<1024xf32, #tpu.memory_space<vmem>>) dst(%dma_wait3A_75 : memref<1024xf32, #tpu.memory_space<vmem_shared>>)
        tpu.yield
      }) : () -> ()
      "tpu.region"() ({
        %run_scoped3A_67 = tpu.sem_alloc : memref<!tpu.dma_semaphore, #tpu.memory_space<semaphore_mem>>
        %dma_start3A_68 = arith.constant 2048 : i32
        %dma_start3A_69 = tpu.memref_slice %arg10[%dma_start3A_68] : memref<8192xf32, #tpu.memory_space<vmem_shared>> -> memref<1024xf32, #tpu.memory_space<vmem_shared>>
        %dma_start3A_70 = arith.constant 2048 : i32
        %dma_start3A_71 = tpu.memref_slice %arg10[%dma_start3A_70] : memref<8192xf32, #tpu.memory_space<vmem_shared>> -> memref<1024xf32, #tpu.memory_space<vmem_shared>>
        tpu.enqueue_dma source(%arg9 : memref<1024xf32, #tpu.memory_space<vmem>>) target(%dma_start3A_71 : memref<1024xf32, #tpu.memory_space<vmem_shared>>) target_semaphore(%run_scoped3A_67 : memref<!tpu.dma_semaphore, #tpu.memory_space<semaphore_mem>>)
        %dma_wait3A_72 = arith.constant 2048 : i32
        %dma_wait3A_73 = tpu.memref_slice %arg10[%dma_wait3A_72] : memref<8192xf32, #tpu.memory_space<vmem_shared>> -> memref<1024xf32, #tpu.memory_space<vmem_shared>>
        %dma_wait3A_74 = arith.constant 2048 : i32
        %dma_wait3A_75 = tpu.memref_slice %arg10[%dma_wait3A_74] : memref<8192xf32, #tpu.memory_space<vmem_shared>> -> memref<1024xf32, #tpu.memory_space<vmem_shared>>
        tpu.wait_dma2 semaphore(%run_scoped3A_67 : memref<!tpu.dma_semaphore, #tpu.memory_space<semaphore_mem>>) src(%arg9 : memref<1024xf32, #tpu.memory_space<vmem>>) dst(%dma_wait3A_75 : memref<1024xf32, #tpu.memory_space<vmem_shared>>)
        tpu.yield
      }) : () -> ()
      "tpu.region"() ({
        %run_scoped3A_67 = tpu.sem_alloc : memref<!tpu.dma_semaphore, #tpu.memory_space<semaphore_mem>>
        %dma_start3A_68 = arith.constant 3072 : i32
        %dma_start3A_69 = tpu.memref_slice %arg10[%dma_start3A_68] : memref<8192xf32, #tpu.memory_space<vmem_shared>> -> memref<1024xf32, #tpu.memory_space<vmem_shared>>
        %dma_start3A_70 = arith.constant 3072 : i32
        %dma_start3A_71 = tpu.memref_slice %arg10[%dma_start3A_70] : memref<8192xf32, #tpu.memory_space<vmem_shared>> -> memref<1024xf32, #tpu.memory_space<vmem_shared>>
        tpu.enqueue_dma source(%arg9 : memref<1024xf32, #tpu.memory_space<vmem>>) target(%dma_start3A_71 : memref<1024xf32, #tpu.memory_space<vmem_shared>>) target_semaphore(%run_scoped3A_67 : memref<!tpu.dma_semaphore, #tpu.memory_space<semaphore_mem>>)
        %dma_wait3A_72 = arith.constant 3072 : i32
        %dma_wait3A_73 = tpu.memref_slice %arg10[%dma_wait3A_72] : memref<8192xf32, #tpu.memory_space<vmem_shared>> -> memref<1024xf32, #tpu.memory_space<vmem_shared>>
        %dma_wait3A_74 = arith.constant 3072 : i32
        %dma_wait3A_75 = tpu.memref_slice %arg10[%dma_wait3A_74] : memref<8192xf32, #tpu.memory_space<vmem_shared>> -> memref<1024xf32, #tpu.memory_space<vmem_shared>>
        tpu.wait_dma2 semaphore(%run_scoped3A_67 : memref<!tpu.dma_semaphore, #tpu.memory_space<semaphore_mem>>) src(%arg9 : memref<1024xf32, #tpu.memory_space<vmem>>) dst(%dma_wait3A_75 : memref<1024xf32, #tpu.memory_space<vmem_shared>>)
        tpu.yield
      }) : () -> ()
      "tpu.region"() ({
        %run_scoped3A_67 = tpu.sem_alloc : memref<!tpu.dma_semaphore, #tpu.memory_space<semaphore_mem>>
        %dma_start3A_68 = arith.constant 4096 : i32
        %dma_start3A_69 = tpu.memref_slice %arg10[%dma_start3A_68] : memref<8192xf32, #tpu.memory_space<vmem_shared>> -> memref<1024xf32, #tpu.memory_space<vmem_shared>>
        %dma_start3A_70 = arith.constant 4096 : i32
        %dma_start3A_71 = tpu.memref_slice %arg10[%dma_start3A_70] : memref<8192xf32, #tpu.memory_space<vmem_shared>> -> memref<1024xf32, #tpu.memory_space<vmem_shared>>
        tpu.enqueue_dma source(%arg9 : memref<1024xf32, #tpu.memory_space<vmem>>) target(%dma_start3A_71 : memref<1024xf32, #tpu.memory_space<vmem_shared>>) target_semaphore(%run_scoped3A_67 : memref<!tpu.dma_semaphore, #tpu.memory_space<semaphore_mem>>)
        %dma_wait3A_72 = arith.constant 4096 : i32
        %dma_wait3A_73 = tpu.memref_slice %arg10[%dma_wait3A_72] : memref<8192xf32, #tpu.memory_space<vmem_shared>> -> memref<1024xf32, #tpu.memory_space<vmem_shared>>
        %dma_wait3A_74 = arith.constant 4096 : i32
        %dma_wait3A_75 = tpu.memref_slice %arg10[%dma_wait3A_74] : memref<8192xf32, #tpu.memory_space<vmem_shared>> -> memref<1024xf32, #tpu.memory_space<vmem_shared>>
        tpu.wait_dma2 semaphore(%run_scoped3A_67 : memref<!tpu.dma_semaphore, #tpu.memory_space<semaphore_mem>>) src(%arg9 : memref<1024xf32, #tpu.memory_space<vmem>>) dst(%dma_wait3A_75 : memref<1024xf32, #tpu.memory_space<vmem_shared>>)
        tpu.yield
      }) : () -> ()
      "tpu.region"() ({
        %run_scoped3A_67 = tpu.sem_alloc : memref<!tpu.dma_semaphore, #tpu.memory_space<semaphore_mem>>
        %dma_start3A_68 = arith.constant 5120 : i32
        %dma_start3A_69 = tpu.memref_slice %arg10[%dma_start3A_68] : memref<8192xf32, #tpu.memory_space<vmem_shared>> -> memref<1024xf32, #tpu.memory_space<vmem_shared>>
        %dma_start3A_70 = arith.constant 5120 : i32
        %dma_start3A_71 = tpu.memref_slice %arg10[%dma_start3A_70] : memref<8192xf32, #tpu.memory_space<vmem_shared>> -> memref<1024xf32, #tpu.memory_space<vmem_shared>>
        tpu.enqueue_dma source(%arg9 : memref<1024xf32, #tpu.memory_space<vmem>>) target(%dma_start3A_71 : memref<1024xf32, #tpu.memory_space<vmem_shared>>) target_semaphore(%run_scoped3A_67 : memref<!tpu.dma_semaphore, #tpu.memory_space<semaphore_mem>>)
        %dma_wait3A_72 = arith.constant 5120 : i32
        %dma_wait3A_73 = tpu.memref_slice %arg10[%dma_wait3A_72] : memref<8192xf32, #tpu.memory_space<vmem_shared>> -> memref<1024xf32, #tpu.memory_space<vmem_shared>>
        %dma_wait3A_74 = arith.constant 5120 : i32
        %dma_wait3A_75 = tpu.memref_slice %arg10[%dma_wait3A_74] : memref<8192xf32, #tpu.memory_space<vmem_shared>> -> memref<1024xf32, #tpu.memory_space<vmem_shared>>
        tpu.wait_dma2 semaphore(%run_scoped3A_67 : memref<!tpu.dma_semaphore, #tpu.memory_space<semaphore_mem>>) src(%arg9 : memref<1024xf32, #tpu.memory_space<vmem>>) dst(%dma_wait3A_75 : memref<1024xf32, #tpu.memory_space<vmem_shared>>)
        tpu.yield
      }) : () -> ()
      "tpu.region"() ({
        %run_scoped3A_67 = tpu.sem_alloc : memref<!tpu.dma_semaphore, #tpu.memory_space<semaphore_mem>>
        %dma_start3A_68 = arith.constant 6144 : i32
        %dma_start3A_69 = tpu.memref_slice %arg10[%dma_start3A_68] : memref<8192xf32, #tpu.memory_space<vmem_shared>> -> memref<1024xf32, #tpu.memory_space<vmem_shared>>
        %dma_start3A_70 = arith.constant 6144 : i32
        %dma_start3A_71 = tpu.memref_slice %arg10[%dma_start3A_70] : memref<8192xf32, #tpu.memory_space<vmem_shared>> -> memref<1024xf32, #tpu.memory_space<vmem_shared>>
        tpu.enqueue_dma source(%arg9 : memref<1024xf32, #tpu.memory_space<vmem>>) target(%dma_start3A_71 : memref<1024xf32, #tpu.memory_space<vmem_shared>>) target_semaphore(%run_scoped3A_67 : memref<!tpu.dma_semaphore, #tpu.memory_space<semaphore_mem>>)
        %dma_wait3A_72 = arith.constant 6144 : i32
        %dma_wait3A_73 = tpu.memref_slice %arg10[%dma_wait3A_72] : memref<8192xf32, #tpu.memory_space<vmem_shared>> -> memref<1024xf32, #tpu.memory_space<vmem_shared>>
        %dma_wait3A_74 = arith.constant 6144 : i32
        %dma_wait3A_75 = tpu.memref_slice %arg10[%dma_wait3A_74] : memref<8192xf32, #tpu.memory_space<vmem_shared>> -> memref<1024xf32, #tpu.memory_space<vmem_shared>>
        tpu.wait_dma2 semaphore(%run_scoped3A_67 : memref<!tpu.dma_semaphore, #tpu.memory_space<semaphore_mem>>) src(%arg9 : memref<1024xf32, #tpu.memory_space<vmem>>) dst(%dma_wait3A_75 : memref<1024xf32, #tpu.memory_space<vmem_shared>>)
        tpu.yield
      }) : () -> ()
      "tpu.region"() ({
        %run_scoped3A_67 = tpu.sem_alloc : memref<!tpu.dma_semaphore, #tpu.memory_space<semaphore_mem>>
        %dma_start3A_68 = arith.constant 7168 : i32
        %dma_start3A_69 = tpu.memref_slice %arg10[%dma_start3A_68] : memref<8192xf32, #tpu.memory_space<vmem_shared>> -> memref<1024xf32, #tpu.memory_space<vmem_shared>>
        %dma_start3A_70 = arith.constant 7168 : i32
        %dma_start3A_71 = tpu.memref_slice %arg10[%dma_start3A_70] : memref<8192xf32, #tpu.memory_space<vmem_shared>> -> memref<1024xf32, #tpu.memory_space<vmem_shared>>
        tpu.enqueue_dma source(%arg9 : memref<1024xf32, #tpu.memory_space<vmem>>) target(%dma_start3A_71 : memref<1024xf32, #tpu.memory_space<vmem_shared>>) target_semaphore(%run_scoped3A_67 : memref<!tpu.dma_semaphore, #tpu.memory_space<semaphore_mem>>)
        %dma_wait3A_72 = arith.constant 7168 : i32
        %dma_wait3A_73 = tpu.memref_slice %arg10[%dma_wait3A_72] : memref<8192xf32, #tpu.memory_space<vmem_shared>> -> memref<1024xf32, #tpu.memory_space<vmem_shared>>
        %dma_wait3A_74 = arith.constant 7168 : i32
        %dma_wait3A_75 = tpu.memref_slice %arg10[%dma_wait3A_74] : memref<8192xf32, #tpu.memory_space<vmem_shared>> -> memref<1024xf32, #tpu.memory_space<vmem_shared>>
        tpu.wait_dma2 semaphore(%run_scoped3A_67 : memref<!tpu.dma_semaphore, #tpu.memory_space<semaphore_mem>>) src(%arg9 : memref<1024xf32, #tpu.memory_space<vmem>>) dst(%dma_wait3A_75 : memref<1024xf32, #tpu.memory_space<vmem_shared>>)
        tpu.yield
      }) : () -> ()
    } else {
    }
    %barrier3A = arith.constant 0 : index
    tpu.barrier barrier_id(%barrier3A)
    %run_scoped3A_53 = arith.constant 0 : i32
    "tpu.region"() ({
      %run_scoped3A_61 = tpu.sem_alloc : memref<!tpu.dma_semaphore, #tpu.memory_space<semaphore_mem>>
      %dma_start3A_62 = arith.constant 0 : i32
      %dma_start3A_63 = tpu.memref_slice %arg6[%run_scoped3A_53, %dma_start3A_62] : memref<2x128xi32, #tpu.memory_space<vmem>> -> memref<1x128xi32, #tpu.memory_space<vmem>>
      %dma_start3A_64 = tpu.memref_squeeze %dma_start3A_63 : memref<1x128xi32, #tpu.memory_space<vmem>> -> memref<128xi32, #tpu.memory_space<vmem>>
      %dma_start3A_65 = arith.constant 0 : i32
      %dma_start3A_66 = tpu.memref_slice %arg10[%dma_start3A_65] : memref<8192xf32, #tpu.memory_space<vmem_shared>> -> memref<8192xf32, #tpu.memory_space<vmem_shared>>
      tpu.enqueue_indirect_dma source(%arg8 : memref<128xf32, #tpu.memory_space<vmem>>) target(%dma_start3A_66 : memref<8192xf32, #tpu.memory_space<vmem_shared>>) offsets(%dma_start3A_64 : memref<128xi32, #tpu.memory_space<vmem>>) semaphore(%run_scoped3A_61 : memref<!tpu.dma_semaphore, #tpu.memory_space<semaphore_mem>>) {add = true}
      %dma_wait3A_67 = arith.constant 0 : i32
      %dma_wait3A_68 = tpu.memref_slice %arg6[%run_scoped3A_53, %dma_wait3A_67] : memref<2x128xi32, #tpu.memory_space<vmem>> -> memref<1x128xi32, #tpu.memory_space<vmem>>
      %dma_wait3A_69 = tpu.memref_squeeze %dma_wait3A_68 : memref<1x128xi32, #tpu.memory_space<vmem>> -> memref<128xi32, #tpu.memory_space<vmem>>
      %dma_wait3A_70 = arith.constant 0 : i32
      %dma_wait3A_71 = tpu.memref_slice %arg10[%dma_wait3A_70] : memref<8192xf32, #tpu.memory_space<vmem_shared>> -> memref<8192xf32, #tpu.memory_space<vmem_shared>>
      tpu.wait_indirect_dma semaphore(%run_scoped3A_61 : memref<!tpu.dma_semaphore, #tpu.memory_space<semaphore_mem>>) src(%arg8 : memref<128xf32, #tpu.memory_space<vmem>>) dst(%dma_wait3A_71 : memref<8192xf32, #tpu.memory_space<vmem_shared>>)
      tpu.yield
    }) : () -> ()
    %run_scoped3A_54 = arith.constant 1 : i32
    "tpu.region"() ({
      %run_scoped3A_61 = tpu.sem_alloc : memref<!tpu.dma_semaphore, #tpu.memory_space<semaphore_mem>>
      %dma_start3A_62 = arith.constant 0 : i32
      %dma_start3A_63 = tpu.memref_slice %arg6[%run_scoped3A_54, %dma_start3A_62] : memref<2x128xi32, #tpu.memory_space<vmem>> -> memref<1x128xi32, #tpu.memory_space<vmem>>
      %dma_start3A_64 = tpu.memref_squeeze %dma_start3A_63 : memref<1x128xi32, #tpu.memory_space<vmem>> -> memref<128xi32, #tpu.memory_space<vmem>>
      %dma_start3A_65 = arith.constant 0 : i32
      %dma_start3A_66 = tpu.memref_slice %arg10[%dma_start3A_65] : memref<8192xf32, #tpu.memory_space<vmem_shared>> -> memref<8192xf32, #tpu.memory_space<vmem_shared>>
      tpu.enqueue_indirect_dma source(%arg8 : memref<128xf32, #tpu.memory_space<vmem>>) target(%dma_start3A_66 : memref<8192xf32, #tpu.memory_space<vmem_shared>>) offsets(%dma_start3A_64 : memref<128xi32, #tpu.memory_space<vmem>>) semaphore(%run_scoped3A_61 : memref<!tpu.dma_semaphore, #tpu.memory_space<semaphore_mem>>) {add = true}
      %dma_wait3A_67 = arith.constant 0 : i32
      %dma_wait3A_68 = tpu.memref_slice %arg6[%run_scoped3A_54, %dma_wait3A_67] : memref<2x128xi32, #tpu.memory_space<vmem>> -> memref<1x128xi32, #tpu.memory_space<vmem>>
      %dma_wait3A_69 = tpu.memref_squeeze %dma_wait3A_68 : memref<1x128xi32, #tpu.memory_space<vmem>> -> memref<128xi32, #tpu.memory_space<vmem>>
      %dma_wait3A_70 = arith.constant 0 : i32
      %dma_wait3A_71 = tpu.memref_slice %arg10[%dma_wait3A_70] : memref<8192xf32, #tpu.memory_space<vmem_shared>> -> memref<8192xf32, #tpu.memory_space<vmem_shared>>
      tpu.wait_indirect_dma semaphore(%run_scoped3A_61 : memref<!tpu.dma_semaphore, #tpu.memory_space<semaphore_mem>>) src(%arg8 : memref<128xf32, #tpu.memory_space<vmem>>) dst(%dma_wait3A_71 : memref<8192xf32, #tpu.memory_space<vmem_shared>>)
      tpu.yield
    }) : () -> ()
    %barrier3A_55 = arith.constant 0 : index
    tpu.barrier barrier_id(%barrier3A_55)
    %eq3A_56 = arith.constant 0 : i32
    %eq3A_57 = arith.cmpi eq, %arg1, %eq3A_56 : i32
    %convert_element_type3A_58 = arith.extui %eq3A_57 : i1 to i32
    %cond3A_59 = arith.constant 0 : i32
    %cond3A_60 = arith.cmpi ne, %convert_element_type3A_58, %cond3A_59 : i32
    scf.if %cond3A_60 {
      "tpu.region"() ({
        %run_scoped3A_61 = tpu.sem_alloc : memref<!tpu.dma_semaphore, #tpu.memory_space<semaphore_mem>>
        %dma_start3A_62 = arith.constant 0 : i32
        %dma_start3A_63 = tpu.memref_slice %arg5[%arg0, %dma_start3A_62] : memref<2x8192xf32, #tpu.memory_space<hbm>> -> memref<1x8192xf32, #tpu.memory_space<hbm>>
        %dma_start3A_64 = tpu.memref_squeeze %dma_start3A_63 : memref<1x8192xf32, #tpu.memory_space<hbm>> -> memref<8192xf32, #tpu.memory_space<hbm>>
        tpu.enqueue_dma source(%arg10 : memref<8192xf32, #tpu.memory_space<vmem_shared>>) target(%dma_start3A_64 : memref<8192xf32, #tpu.memory_space<hbm>>) target_semaphore(%run_scoped3A_61 : memref<!tpu.dma_semaphore, #tpu.memory_space<semaphore_mem>>)
        %dma_wait3A_65 = arith.constant 0 : i32
        %dma_wait3A_66 = tpu.memref_slice %arg5[%arg0, %dma_wait3A_65] : memref<2x8192xf32, #tpu.memory_space<hbm>> -> memref<1x8192xf32, #tpu.memory_space<hbm>>
        %dma_wait3A_67 = tpu.memref_squeeze %dma_wait3A_66 : memref<1x8192xf32, #tpu.memory_space<hbm>> -> memref<8192xf32, #tpu.memory_space<hbm>>
        tpu.wait_dma2 semaphore(%run_scoped3A_61 : memref<!tpu.dma_semaphore, #tpu.memory_space<semaphore_mem>>) src(%arg10 : memref<8192xf32, #tpu.memory_space<vmem_shared>>) dst(%dma_wait3A_67 : memref<8192xf32, #tpu.memory_space<hbm>>)
        tpu.yield
      }) : () -> ()
    } else {
    }
    return
  }
}

module attributes {stable_mosaic.version = 14 : i64} {
  func.func @_argmin_body(%arg0: i32, %arg1: memref<1024x256xbf16, #tpu.memory_space<vmem>>, %arg2: memref<8192x256xbf16, #tpu.memory_space<vmem>>, %arg3: memref<1024x1xf32, #tpu.memory_space<vmem>>, %arg4: memref<1x8192xf32, #tpu.memory_space<vmem>>, %arg5: memref<1024x1xi32, #tpu.memory_space<vmem>>) attributes {dimension_semantics = [#tpu.dimension_semantics<arbitrary>], iteration_bounds = array<i64: 8>, scalar_prefetch = 0 : i64, scratch_operands = 0 : i64, tpu.core_type = #tpu.core_type<tc>, window_params = [{transform_indices = @transform_0, window_bounds = array<i64: 1024, 256>}, {pipeline_mode = #tpu.pipeline_mode<synchronous>, transform_indices = @transform_1, window_bounds = array<i64: 8192, 256>}, {transform_indices = @transform_2, window_bounds = array<i64: 1024, 1>}, {pipeline_mode = #tpu.pipeline_mode<synchronous>, transform_indices = @transform_3, window_bounds = array<i64: 1, 8192>}, {transform_indices = @transform_4, window_bounds = array<i64: 1024, 1>}]} {
    %get3A = arith.constant 0 : index
    %get3A_0 = arith.constant 0 : index
    %get3A_1 = vector.load %arg1[%get3A, %get3A_0] : memref<1024x256xbf16, #tpu.memory_space<vmem>>, vector<1024x256xbf16>
    %get3A_2 = arith.constant 0 : index
    %get3A_3 = arith.constant 0 : index
    %get3A_4 = vector.load %arg2[%get3A_2, %get3A_3] : memref<8192x256xbf16, #tpu.memory_space<vmem>>, vector<8192x256xbf16>
    %dot_general3A = arith.constant dense<0.000000e+00> : vector<1024x8192xf32>
    %dot_general3A_5 = tpu.matmul %get3A_1, %get3A_4, %dot_general3A {dimension_numbers = #tpu.dot_dimension_numbers<[1], [1], [0], [0], [0, 0, 1, 0], [], []>, transpose_lhs_hint = false} : vector<1024x256xbf16>, vector<8192x256xbf16>, vector<1024x8192xf32> -> vector<1024x8192xf32>
    %get3A_6 = arith.constant 0 : index
    %get3A_7 = arith.constant 0 : index
    %get3A_8 = vector.load %arg3[%get3A_6, %get3A_7] : memref<1024x1xf32, #tpu.memory_space<vmem>>, vector<1024x1xf32>
    %mul3A = arith.constant 2.000000e+00 : f32
    %mul3A_9 = vector.broadcast %mul3A : f32 to vector<1024x8192xf32>
    %mul3A_10 = arith.mulf %mul3A_9, %dot_general3A_5 : vector<1024x8192xf32>
    %sub3A = vector.broadcast %get3A_8 : vector<1024x1xf32> to vector<1024x8192xf32>
    %sub3A_11 = arith.subf %sub3A, %mul3A_10 : vector<1024x8192xf32>
    %get3A_12 = arith.constant 0 : index
    %get3A_13 = arith.constant 0 : index
    %get3A_14 = vector.load %arg4[%get3A_12, %get3A_13] : memref<1x8192xf32, #tpu.memory_space<vmem>>, vector<1x8192xf32>
    %add3A = vector.broadcast %get3A_14 : vector<1x8192xf32> to vector<1024x8192xf32>
    %add3A_15 = arith.addf %sub3A_11, %add3A : vector<1024x8192xf32>
    %reduce_min3A = arith.constant dense<0x7F800000> : vector<1024xf32>
    %reduce_min3A_16 = vector.multi_reduction <minimumf>, %add3A_15, %reduce_min3A [1] : vector<1024x8192xf32> to vector<1024xf32>
    %broadcast_in_dim3A = vector.shape_cast %reduce_min3A_16 : vector<1024xf32> to vector<1024x1xf32>
    %iota3A = tpu.iota {dimensions = array<i32: 1>} : vector<1024x8192xi32>
    %eq3A = vector.broadcast %broadcast_in_dim3A : vector<1024x1xf32> to vector<1024x8192xf32>
    %eq3A_17 = arith.cmpf oeq, %add3A_15, %eq3A : vector<1024x8192xf32>
    %jit3A = arith.constant 1073741824 : i32
    %broadcast_in_dim3A_18 = vector.broadcast %jit3A : i32 to vector<1024x8192xi32>
    %select_n3A = arith.select %eq3A_17, %iota3A, %broadcast_in_dim3A_18 : vector<1024x8192xi1>, vector<1024x8192xi32>
    %reduce_min3A_19 = arith.constant dense<2147483647> : vector<1024xi32>
    %reduce_min3A_20 = vector.multi_reduction <minsi>, %select_n3A, %reduce_min3A_19 [1] : vector<1024x8192xi32> to vector<1024xi32>
    %broadcast_in_dim3A_21 = vector.shape_cast %reduce_min3A_20 : vector<1024xi32> to vector<1024x1xi32>
    %swap3A = arith.constant 0 : index
    %swap3A_22 = arith.constant 0 : index
    %swap3A_23 = vector.load %arg5[%swap3A, %swap3A_22] : memref<1024x1xi32, #tpu.memory_space<vmem>>, vector<1024x1xi32>
    tpu.vector_store %arg5[%swap3A, %swap3A_22], %broadcast_in_dim3A_21 {strides = array<i32>} : memref<1024x1xi32, #tpu.memory_space<vmem>>, vector<1024x1xi32>,
    return
  }
  func.func @transform_0(%arg0: i32) -> (i32, i32) {
    %c0_i32 = arith.constant 0 : i32
    %c0_i32_0 = arith.constant 0 : i32
    return %arg0, %c0_i32 : i32, i32
  }
  func.func @transform_1(%arg0: i32) -> (i32, i32) {
    %c0_i32 = arith.constant 0 : i32
    %c0_i32_0 = arith.constant 0 : i32
    %c0_i32_1 = arith.constant 0 : i32
    return %c0_i32, %c0_i32_0 : i32, i32
  }
  func.func @transform_2(%arg0: i32) -> (i32, i32) {
    %c0_i32 = arith.constant 0 : i32
    %c0_i32_0 = arith.constant 0 : i32
    return %arg0, %c0_i32 : i32, i32
  }
  func.func @transform_3(%arg0: i32) -> (i32, i32) {
    %c0_i32 = arith.constant 0 : i32
    %c0_i32_0 = arith.constant 0 : i32
    %c0_i32_1 = arith.constant 0 : i32
    return %c0_i32, %c0_i32_0 : i32, i32
  }
  func.func @transform_4(%arg0: i32) -> (i32, i32) {
    %c0_i32 = arith.constant 0 : i32
    %c0_i32_0 = arith.constant 0 : i32
    return %arg0, %c0_i32 : i32, i32
  }
}

module attributes {stable_mosaic.version = 14 : i64} {
  func.func @_final_body(%arg0: memref<8192x256xf32, #tpu.memory_space<vmem>>, %arg1: memref<8192x256xf32, #tpu.memory_space<vmem>>, %arg2: memref<2x8192xf32, #tpu.memory_space<vmem>>, %arg3: memref<1x1xf32, #tpu.memory_space<vmem>>, %arg4: memref<1x1xf32, #tpu.memory_space<vmem>>) attributes {dimension_semantics = [], scalar_prefetch = 0 : i64, scratch_operands = 0 : i64, tpu.core_type = #tpu.core_type<tc>} {
    %get3A = arith.constant 0 : index
    %get3A_0 = arith.constant 0 : index
    %get3A_1 = vector.load %arg1[%get3A, %get3A_0] : memref<8192x256xf32, #tpu.memory_space<vmem>>, vector<8192x256xf32>
    %get3A_2 = arith.constant 0 : index
    %get3A_3 = arith.constant 0 : index
    %get3A_4 = vector.load %arg0[%get3A_2, %get3A_3] : memref<8192x256xf32, #tpu.memory_space<vmem>>, vector<8192x256xf32>
    %sub3A = arith.subf %get3A_1, %get3A_4 : vector<8192x256xf32>
    %mul3A = arith.mulf %sub3A, %sub3A : vector<8192x256xf32>
    %reduce_sum3A = vector.shape_cast %mul3A : vector<8192x256xf32> to vector<1x8192x256xf32>
    %reduce_sum3A_5 = arith.constant dense<0.000000e+00> : vector<1xf32>
    %reduce_sum3A_6 = vector.multi_reduction <add>, %reduce_sum3A, %reduce_sum3A_5 [1, 2] : vector<1x8192x256xf32> to vector<1xf32>
    %reduce_sum3A_7 = vector.shape_cast %reduce_sum3A_6 : vector<1xf32> to vector<1x1x1xf32>
    %reduce_sum3A_8 = vector.extract %reduce_sum3A_7[0, 0, 0] : f32 from vector<1x1x1xf32>
    %broadcast_in_dim3A = vector.broadcast %reduce_sum3A_8 : f32 to vector<1x1xf32>
    %div3A = arith.constant 0x4A000000 : f32
    %div3A_9 = vector.broadcast %div3A : f32 to vector<1x1xf32>
    %div3A_10 = arith.divf %broadcast_in_dim3A, %div3A_9 : vector<1x1xf32>
    %swap3A = arith.constant 0 : index
    %swap3A_11 = arith.constant 0 : index
    %swap3A_12 = vector.load %arg3[%swap3A, %swap3A_11] : memref<1x1xf32, #tpu.memory_space<vmem>>, vector<1x1xf32>
    tpu.vector_store %arg3[%swap3A, %swap3A_11], %div3A_10 {strides = array<i32>} : memref<1x1xf32, #tpu.memory_space<vmem>>, vector<1x1xf32>,
    %get3A_13 = arith.constant 0 : index
    %get3A_14 = arith.constant 0 : index
    %get3A_15 = vector.load %arg2[%get3A_13, %get3A_14] : memref<2x8192xf32, #tpu.memory_space<vmem>>, vector<2x8192xf32>
    %reduce_sum3A_16 = arith.constant dense<0.000000e+00> : vector<8192xf32>
    %reduce_sum3A_17 = vector.multi_reduction <add>, %get3A_15, %reduce_sum3A_16 [0] : vector<2x8192xf32> to vector<8192xf32>
    %broadcast_in_dim3A_18 = vector.shape_cast %reduce_sum3A_17 : vector<8192xf32> to vector<1x8192xf32>
    %reduce_sum3A_19 = vector.shape_cast %broadcast_in_dim3A_18 : vector<1x8192xf32> to vector<1x1x8192xf32>
    %reduce_sum3A_20 = arith.constant dense<0.000000e+00> : vector<1xf32>
    %reduce_sum3A_21 = vector.multi_reduction <add>, %reduce_sum3A_19, %reduce_sum3A_20 [1, 2] : vector<1x1x8192xf32> to vector<1xf32>
    %reduce_sum3A_22 = vector.shape_cast %reduce_sum3A_21 : vector<1xf32> to vector<1x1x1xf32>
    %reduce_sum3A_23 = vector.extract %reduce_sum3A_22[0, 0, 0] : f32 from vector<1x1x1xf32>
    %div3A_24 = vector.broadcast %reduce_sum3A_23 : f32 to vector<1x8192xf32>
    %div3A_25 = arith.divf %broadcast_in_dim3A_18, %div3A_24 : vector<1x8192xf32>
    %add3A = arith.constant 9.99999974E-6 : f32
    %add3A_26 = vector.broadcast %add3A : f32 to vector<1x8192xf32>
    %add3A_27 = arith.addf %div3A_25, %add3A_26 : vector<1x8192xf32>
    %log3A = math.log %add3A_27 : vector<1x8192xf32>
    %mul3A_28 = arith.mulf %div3A_25, %log3A : vector<1x8192xf32>
    %reduce_sum3A_29 = vector.shape_cast %mul3A_28 : vector<1x8192xf32> to vector<1x1x8192xf32>
    %reduce_sum3A_30 = arith.constant dense<0.000000e+00> : vector<1xf32>
    %reduce_sum3A_31 = vector.multi_reduction <add>, %reduce_sum3A_29, %reduce_sum3A_30 [1, 2] : vector<1x1x8192xf32> to vector<1xf32>
    %reduce_sum3A_32 = vector.shape_cast %reduce_sum3A_31 : vector<1xf32> to vector<1x1x1xf32>
    %reduce_sum3A_33 = vector.extract %reduce_sum3A_32[0, 0, 0] : f32 from vector<1x1x1xf32>
    %broadcast_in_dim3A_34 = vector.broadcast %reduce_sum3A_33 : f32 to vector<1x1xf32>
    %neg3A = arith.constant 0.000000e+00 : f32
    %neg3A_35 = vector.broadcast %neg3A : f32 to vector<1x1xf32>
    %neg3A_36 = arith.subf %neg3A_35, %broadcast_in_dim3A_34 : vector<1x1xf32>
    %swap3A_37 = arith.constant 0 : index
    %swap3A_38 = arith.constant 0 : index
    %swap3A_39 = vector.load %arg4[%swap3A_37, %swap3A_38] : memref<1x1xf32, #tpu.memory_space<vmem>>, vector<1x1xf32>
    tpu.vector_store %arg4[%swap3A_37, %swap3A_38], %neg3A_36 {strides = array<i32>} : memref<1x1xf32, #tpu.memory_space<vmem>>, vector<1x1xf32>,
    return
  }
}

</mosaic_0001>

<sc_bundles>
// kernel: kernel.5.cloned.1.call-start
scs
__scs_entry_jumppad:
0x0: {  	(pc) =	sbr.rel $0x88, $3  }
0x1: {  	(tag) =	ssettag $0x0;
	lr =	simm.s32 $0x1  }
0x2: {  	[smem:$0x3F9F] =	sst lr;
	_ =	strace $0xD0000000  }
0x3: {  	_ = 	snop  }
0x4: {  	_ = 	snop  }
0x5: {  	_ = 	snop  }
0x6: {  	_ = 	snop  }
0x7: {  	_ = 	snop  }
__scs_overlays_trampoline_lowered:
0x8: {  	[smem:$0x3FAE] =	sst s0  }
0x9: {  	[smem:$0x3FAF] =	sst s1  }
0xa: {  	[smem:$0x3FB0] =	sst s2  }
0xb: {  	[smem:$0x3FB1] =	sst s3  }
0xc: {  	[smem:$0x3FB2] =	sst s4  }
0xd: {  	[smem:$0x3FB3] =	sst s5  }
0xe: {  	[smem:$0x3FB4] =	sst s6  }
0xf: {  	[smem:$0x3FB5] =	sst s7  }
0x10: {  	[smem:$0x3FB6] =	sst s8  }
0x11: {  	[smem:$0x3FB7] =	sst s9;
	s0 =	simm.s32 @!p0 $0x0  }
0x12: {  	s1 =	sld [smem:$0x3F9D];
	s0 =	simm.s32 @p0 $0x1  }
0x13: {  	[smem:$0x3FB8] =	sst s0;
	s0 =	simm.s32 @!p1 $0x0  }
0x14: {  	s2 =	sld [smem:$0x3F9C];
	s0 =	simm.s32 @p1 $0x1  }
0x15: {  	[smem:$0x3FB9] =	sst s0;
	s0 =	simm.s32 @!p2 $0x0  }
0x16: {  	s3 =	sld [smem:$0x3FDB];
	s0 =	simm.s32 @p2 $0x1  }
0x17: {  	s4 =	simm.s32 $0x1BF5;
	[smem:$0x3FBB] =	sst s0  }
0x18: {  	s0 =	sld [smem:$0x3F9E];
	_ =	swait.ge [sflag:s4], $0x0  }
0x19: {  	s7 =	sld [smem:$0x3F9F]  }
0x1a: {  	s8 =	sadd.s32 $0xFFFFE003, lr  }
0x1b: {  	s9 =	sadd.s32 $0xFFFFFEF7, lr;
	s5 =	simm.s32 $0xFFFFFFFF;
	p2 =	slt.u32 s8, $0xFFFFF086  }
0x1c: {  	p1 =	slt.u32 s9, $0xF7A;
	s5 =	simm.s32 @!p2 $0x0  }
0x1d: {  	s5 =	simm.s32 @p1 $0x1;
	p0 =	seq.s32 s7, s2  }
0x1e: {  	s7 =	smul.u32 @!p0 $0xF7A, s2;
	p2 =	seq.s32 @!p0 s5, $0x0  }
0x1f: {  	s9 =	smul.u32 $0xF7A, s1;
	s8 =	simm.s32 @!p0 $0x1BF5;
	p2 =	por !p2, p0  }
0x20: {  	[sflag:s8] =	ssyncset.s32 @!p0 $0xFFFFF086;
	s6 =	sadd.s32 @!p0 s3, s7;
	s7 =	simm.s32 @!p0 $0x108  }
0x21: {  	s3 =	sadd.s32 s3, s9;
	s6 =	sadd.s32 @!p0 $0x88, s6;
	s7 =	simm.s32 @p2 $0x1082  }
0x22: {  	[simem:s7], [sflag:s8] =	dma.local @!p0 [hbm:s6], $0xF7A  }
0x23: {  	s9 =	sor.u32 $0xD0000000, s2;
	s6 =	simm.s32 $0x108;
	_ =	swait.ge @!p0 [sflag:s8], $0x0  }
0x24: {  	s3 =	sadd.s32 $0x88, s3;
	s6 =	simm.s32 @!p1 $0x1082;
	[sflag:s4] =	ssyncset.s32 $0xFFFFF086  }
0x25: {  	[simem:s6], [sflag:s4] =	dma.local [hbm:s3], $0xF7A  }
0x26: {  	[smem:$0x3F9F] =	sst s1;
	(tag) =	ssettag s2;
	_ =	strace s9  }
0x27: {  	s1 =	sld [smem:$0x3FAF]  }
0x28: {  	s2 =	sld [smem:$0x3FB0]  }
0x29: {  	s4 =	sld [smem:$0x3FB2]  }
0x2a: {  	p0 =	seq.s32 s5, $0x0;
	s5 =	sld [smem:$0x3FB3]  }
0x2b: {  	s6 =	sld [smem:$0x3FB4]  }
0x2c: {  	s7 =	sld [smem:$0x3FB5]  }
0x2d: {  	s3 =	simm.s32 $0x108;
	s8 =	sld [smem:$0x3FB6]  }
0x2e: {  	s3 =	simm.s32 @!p0 $0x1082;
	s9 =	sld [smem:$0x3FB7]  }
0x2f: {  	lr =	sadd.s32 s0, s3;
	s0 =	sld [smem:$0x3FAE]  }
0x30: {  	s3 =	sld [smem:$0x3FB1]  }
0x31: {  	[smem:$0x3FBA] =	sst s10  }
0x32: {  	s10 =	sld [smem:$0x3FB8];
	_ =	sdelay $0x3  }
0x33: {  	p0 =	seq.s32 s10, $0x1;
	s10 =	sld [smem:$0x3FBA];
	_ =	sdelay $0x3  }
0x34: {  	[smem:$0x3FBA] =	sst s10  }
0x35: {  	s10 =	sld [smem:$0x3FB9];
	_ =	sdelay $0x3  }
0x36: {  	p1 =	seq.s32 s10, $0x1;
	s10 =	sld [smem:$0x3FBA];
	_ =	sdelay $0x3  }
0x37: {  	[smem:$0x3FBA] =	sst s10  }
0x38: {  	s10 =	sld [smem:$0x3FBB]  }
0x39: {  	_ = 	snop;
	(pc) =	sbr.ind lr, $3  }
0x3a: {  	_ = 	snop  }
0x3b: {  	_ = 	snop  }
0x3c: {  	p2 =	seq.s32 s10, $0x1;
	s10 =	sld [smem:$0x3FBA]  }
0x3d: {  	_ =	shalt  }
0x3e: {  	_ =	shalt  }
0x3f: {  	_ =	shalt  }
0x40: {  	_ =	shalt  }
0x41: {  	_ =	shalt  }
0x42: {  	_ =	shalt  }
0x43: {  	_ =	shalt  }
0x44: {  	_ =	shalt  }
0x45: {  	_ =	shalt  }
0x46: {  	_ =	shalt  }
0x47: {  	_ =	shalt  }
0x48: {  	_ =	shalt  }
0x49: {  	_ =	shalt  }
0x4a: {  	_ =	shalt  }
0x4b: {  	_ =	shalt  }
0x4c: {  	_ =	shalt  }
0x4d: {  	_ =	shalt  }
0x4e: {  	_ =	shalt  }
0x4f: {  	_ =	shalt  }
0x50: {  	_ =	shalt  }
0x51: {  	_ =	shalt  }
0x52: {  	_ =	shalt  }
0x53: {  	_ =	shalt  }
0x54: {  	_ =	shalt  }
0x55: {  	_ =	shalt  }
0x56: {  	_ =	shalt  }
0x57: {  	_ =	shalt  }
0x58: {  	_ =	shalt  }
0x59: {  	_ =	shalt  }
0x5a: {  	_ =	shalt  }
0x5b: {  	_ =	shalt  }
0x5c: {  	_ =	shalt  }
0x5d: {  	_ =	shalt  }
0x5e: {  	_ =	shalt  }
0x5f: {  	_ =	shalt  }
0x60: {  	_ =	shalt  }
0x61: {  	_ =	shalt  }
0x62: {  	_ =	shalt  }
0x63: {  	_ =	shalt  }
0x64: {  	_ =	shalt  }
0x65: {  	_ =	shalt  }
0x66: {  	_ =	shalt  }
0x67: {  	_ =	shalt  }
0x68: {  	_ =	shalt  }
0x69: {  	_ =	shalt  }
0x6a: {  	_ =	shalt  }
0x6b: {  	_ =	shalt  }
0x6c: {  	_ =	shalt  }
0x6d: {  	_ =	shalt  }
0x6e: {  	_ =	shalt  }
0x6f: {  	_ =	shalt  }
0x70: {  	_ =	shalt  }
0x71: {  	_ =	shalt  }
0x72: {  	_ =	shalt  }
0x73: {  	_ =	shalt  }
0x74: {  	_ =	shalt  }
0x75: {  	_ =	shalt  }
0x76: {  	_ =	shalt  }
0x77: {  	_ =	shalt  }
0x78: {  	_ =	shalt  }
0x79: {  	_ =	shalt  }
0x7a: {  	_ =	shalt  }
0x7b: {  	_ =	shalt  }
0x7c: {  	_ =	shalt  }
0x7d: {  	_ =	shalt  }
0x7e: {  	_ =	shalt  }
0x7f: {  	_ =	shalt  }
0x80: {  	_ =	shalt  }
0x81: {  	_ =	shalt  }
0x82: {  	_ =	shalt  }
0x83: {  	_ =	shalt  }
0x84: {  	_ =	shalt  }
0x85: {  	_ =	shalt  }
0x86: {  	_ =	shalt  }
0x87: {  	_ =	shalt  }
.Lfunc_end0:
.L_simem_size_0:
called_computation_lowered:
.L_overlay_start_0:
0x88: {  	s2 =	sld [smem:$0x3FD9]  }
0x89: {  	s3 =	sld [smem:$0x3FFE];
	_ =	sdelay $0x1  }
0x8a: {  	s1 =	srdreg.scid  }
0x8b: {  	s0 =	sand.u32 $0x1, s1  }
0x8c: {  	s14 =	sshll.u32 s0, $0xA;
	s2 =	sadd.s32 s3, s2  }
0x8d: {  	s2 =	sadd.s32 s2, s14  }
0x8e: {  	[smem:$0x3FC6] =	sst s2  }
0x8f: {  	_ = 	snop  }
0x90: {  	s2 =	sld [smem:$0x3FD0];
	_ =	sdelay $0x2  }
0x91: {  	s4 =	simm.s32 $0xA;
	s5 =	simm.s32 $0x10;
	s15 =	sld [smem:$0x3FC8]  }
0x92: {  	[smem:s5], [sflag:s4] =	dma.local [hbm:s2], $0x1  }
0x93: {  	_ =	swait.eq [sflag:s4], $0x1  }
0x94: {  	[sflag:s4] =	ssyncset.done $0x0  }
0x95: {  	[sflag:s4] =	ssyncadd.s32 $0xFFFFFFFF  }
0x96: {  	s16 =	sld [smem:$0x10];
	(tm) =	ssettm $0x1  }
0x97: {  	s17 =	sld [smem:$0x3FFB];
	_ =	sdelay $0x3  }
0x98: {  	_ =	strace s17  }
0x99: {  	s4 =	sld [smem:$0x3FFC];
	_ =	sdelay $0x3  }
0x9a: {  	_ =	strace s4  }
0x9b: {  	s4 =	sld [smem:$0x3FFD];
	_ =	sdelay $0x3  }
0x9c: {  	_ =	strace s4  }
0x9d: {  	_ =	strace $0x8FFFFFFF  }
0x9e: {  	s18 =	sld [smem:$0x3FDB];
	_ =	sdelay $0x1  }
0x9f: {  	s19 =	simm.s32 $_scs_section_size  }
0xa0: {  	s6 =	simm.s32 $_size__tile_overlayer_lowered;
	s7 =	simm.s32 $_tile_overlayer_lowered  }
0xa1: {  	s22 =	simm.s32 $0x1BFF;
	s21 =	sshll.u32 s7, $0x1;
	s4 =	sadd.s32 s19, s18  }
0xa2: {  	s8 =	simm.s32 $0x0;
	s20 =	sshll.u32 s6, $0x1;
	s6 =	sadd.s32 s21, s4  }
0xa3: {  	[timem:s8], [sflag:s22] =	dma.local [hbm:s6], s20  }
0xa4: {  	_ =	swait.ge [sflag:s22], s20  }
0xa5: {  	s5 =	ssub.s32 $0x0, s20;
	[sflag:s22] =	ssyncset.done $0x0  }
0xa6: {  	[sflag:s22] =	ssyncadd.s32 s5;
	_ =	sdelay $0x1  }
0xa7: {  	s23 =	simm.s32 $0x1B8B  }
0xa8: {  	_ =	swait.ge [sflag:s23], $0x1  }
0xa9: {  	[sflag:s23] =	ssyncset.done $0x0  }
0xaa: {  	s25 =	simm.s32 $0x1B8E;
	s24 =	sld [smem:$0x3FFE];
	[sflag:s23] =	ssyncadd.s32 $0xFFFFFFFF  }
0xab: {  	s26 =	simm.s32 $execute0_lowered;
	[smem:$0x3FD2] =	sst s25  }
0xac: {  	s6 =	sshll.u32 s26, $0x1;
	_ =	strace $0x80000046;
	[dreg:$0x1] =	wrdreg $0xFFFFFFFF  }
0xad: {  	s28 =	simm.s32 $_size_execute0_lowered;
	s4 =	sadd.s32 s4, s6;
	[dreg:$0x0] =	wrdreg $0x0  }
0xae: {  	s6 =	sshll.u32 s28, $0x1;
	[dreg:$0x2] =	wrdreg s4  }
0xaf: {  	[dreg:$0x3] =	wrdreg s6  }
0xb0: {  	[dreg:$0x4] =	wrdreg $0xC0  }
0xb1: {  	_ =	task [dreg:s8], $0x5FFFF  }
0xb2: {  	[dreg:$0x1] =	wrdreg $0xFFFFFFFF  }
0xb3: {  	[dreg:$0x0] =	wrdreg $0x60  }
0xb4: {  	[dreg:$0x2] =	wrdreg s15  }
0xb5: {  	[dreg:$0x3] =	wrdreg s24  }
0xb6: {  	[dreg:$0x4] =	wrdreg s16  }
0xb7: {  	[dreg:$0x5] =	wrdreg $0x105800  }
0xb8: {  	[dreg:$0x6] =	wrdreg $0x9  }
0xb9: {  	_ =	task.clear_ibuf [dreg:s8], $0x7FFFF;
	_ =	strace $0x90000046  }
0xba: {  	s29 =	simm.s32 $0x9;
	_ =	strace $0x80000048  }
0xbb: {  	_ =	swait.ge [sflag:s29], $0x1  }
0xbc: {  	[sflag:s29] =	ssyncadd.s32 $0xFFFFFFFF  }
0xbd: {  	_ =	strace $0x90000048  }
0xbe: {  	_ =	sfence  }
0xbf: {  	s30 =	sld [smem:$0x0];
	_ =	sdelay $0x2  }
0xc0: {  	s31 =	sshll.u32 s1, $0xD;
	s1 =	sshrl.u32 s1, $0x2  }
0xc1: {  	s3 =	sand.u32 $0x4000, s31;
	s1 =	sadd.s32 s1, s30  }
0xc2: {  	s0 =	sor.u32 s3, s0;
	s1 =	sshll.u32 s1, $0x11  }
0xc3: {  	s0 =	sor.u32 s1, s0  }
0xc4: {  	s0 =	sadd.s32 $0x8F2B, s0  }
0xc5: {  	[sflag:s0] =	ssyncadd.remote.s32 $0x1  }
0xc6: {  	_ =	sfence.sel $0xFFFF  }
0xc7: {  	[dreg:$0x0] =	wrdreg $0xFFFFFFFF;
	(pc) =	sbr.abs _section_cstart, $3  }
0xc8: {  	[dreg:$0x1] =	wrdreg $0xFFFFFFFF  }
0xc9: {  	_ =	task.clear_ibuf [dreg:s8], $0x2FFFF;
	_ =	strace $0x9FFFFFFF  }
0xca: {  	(tm) =	ssettm $0x7FFFFFFF  }
0xcb: {  	_ =	shalt  }
tec
execute0_lowered:
.L_overlay_start_1:
0x0: {  	(tag) =	ssettag $0x1  }
0x1: {  	s1 =	rddreg [dreg:$0x0]  }
0x2: {  	s0 =	rddreg [dreg:$0x1]  }
0x3: {  	s6 =	rddreg [dreg:$0x2]  }
0x4: {  	s2 =	rddreg [dreg:$0x3]  }
0x5: {  	s3 =	srdreg.scid;
	s7 =	stileid.u32  }
0x6: {  	s16 =	simm.s32 $0x2;
	s17 =	simm.s32 $0x80;
	s18 =	simm.s32 $0x100  }
0x7: {  	s11 =	simm.s32 $0x9100;
	s12 =	simm.s32 $0x9900;
	s13 =	simm.s32 $0xA100  }
0x8: {  	s14 =	simm.s32 $0xA900;
	s28 =	simm.s32 $0xF100;
	s29 =	simm.s32 $0xF900  }
0x9: {  	s30 =	simm.s32 $0x1;
	s31 =	simm.s32 $0x10180;
	s4 =	sand.u32 $0x1, s3  }
0xa: {  	s3 =	simm.s32 $0x0;
	s5 =	sshll.u32 s7, $0x9;
	s20 =	sadd.s32 $0x400, s2  }
0xb: {  	s21 =	sadd.s32 $0x800, s2;
	s22 =	sadd.s32 $0xC00, s2;
	[smem:$0x7FF] =	sst s3  }
0xc: {  	s23 =	sadd.s32 $0x1000, s2;
	_ =	strace $0x80000047;
	[dreg:$0x5] =	wrdreg s20  }
0xd: {  	s24 =	sadd.s32 $0x1400, s2;
	s25 =	sadd.s32 $0x1800, s2;
	[dreg:$0x6] =	wrdreg s21  }
0xe: {  	s26 =	sadd.s32 $0x1C00, s2;
	p0 =	sne.s32 s7, $0x0;
	[dreg:$0x7] =	wrdreg s22  }
0xf: {  	s7 =	simm.s32 $0x0;
	s8 =	sshll.u32 s4, $0x8;
	[dreg:$0x8] =	wrdreg s23  }
0x10: {  	s9 =	ssub.s32 $0x2, s4;
	s4 =	sshll.u32 s4, $0x4;
	[dreg:$0x9] =	wrdreg s24  }
0x11: {  	s5 =	sor.u32 s8, s5;
	s10 =	sshrl.u32 s9, $0x1;
	[dreg:$0xa] =	wrdreg s25  }
0x12: {  	[dreg:$0xb] =	wrdreg s26;
	s20 =	simm.s32 $0xB900;
	s21 =	simm.s32 $0xC100  }
0x13: {  	s22 =	simm.s32 $0xC900;
	s23 =	simm.s32 $0xD100;
	s24 =	simm.s32 $0xD900  }
0x14: {  	s25 =	simm.s32 $0xE100;
	s26 =	simm.s32 $0xE900;
	s8 =	sshrl.u32 s5, $0x3  }
.Ltmp0:
0x15: {  	s9 =	ssub.s32 s9, s10;
	s19 =	sshll.u32 s5, $0x5;
	(pc) =	sbr.rel .LBB2_1-.Ltmp0, $4  }
0x16: {  	s8 =	sadd.s32 s8, s0;
	s0 =	sadd.s32 s4, s0;
	s6 =	sadd.s32 s6, s19  }
0x17: {  	v2 =	vlaneseq.u32;
	vm0 =	vmmov $0xffff;
	s15 =	smax.u32 s9, $0x1;
	s9 =	simm.s32 $0x1100;
	s19 =	simm.s32 $0xB100  }
0x18: {  	v3 =	vimm.f32 $1.000000000e+00;
	v4 =	vimm.f32 $0.0e+00;
	v1 =	vshrl.u32 v2, $0x3;
	s4 =	sadd.s32 $0x800, s8;
	s5 =	sadd.s32 $0x810, s8;
	s0 =	sadd.s32 $0xC00, s0  }
0x19: {  	v0 =	vand.u32 $0x7, v2;
	v2 =	vor.u32 $0x8, v2;
	v1 =	vmul.u32 $0x8, v1;
	s8 =	simm.s32 $0x900;
	[dreg:$0xc] =	wrdreg s0;
	s0 =	simm.s32 $0x10100  }
.LBB2_5:
0x1a: {  	[bflag:$0x0] =	sbarrier.arrive $0xFFFF  }
0x1b: {  	[spmem:s2] =	stream.indirect.scatter.add.f32 [tilespmem:s0], [sflag:$0x2], $0x1, s3, s17, $0xb8;
	[tilespmem:$0x10780] =	vst v63  }
0x1c: {  	_ =	swait.ge [sflag:s16], $0x80  }
0x1d: {  	[sflag:s16] =	ssyncset.done $0x0  }
0x1e: {  	[sflag:s16] =	ssyncadd.s32 $0xFFFFFF80  }
0x1f: {  	[spmem:s2] =	stream.indirect.scatter.add.f32 [tilespmem:s0], [sflag:$0x2], $0x1, s17, s17, $0xb8;
	[tilespmem:$0x10780] =	vst v63  }
0x20: {  	_ =	swait.ge [sflag:s16], $0x80  }
0x21: {  	[sflag:s16] =	ssyncset.done $0x0  }
0x22: {  	[sflag:s16] =	ssyncadd.s32 $0xFFFFFF80  }
0x23: {  	[bflag:$0x0] =	sbarrier.arrive $0xFFFF  }
.LBB2_6:
0x24: {  	s7 =	sadd.s32 $0x1, s7  }
0x25: {  	p1 =	sne.s32 s7, s15  }
.Ltmp1:
0x26: {  	_ = 	snop;
	(pc) =	sbr.rel @!p1 .LBB2_7-.Ltmp1, $1  }
0x27: {  	_ =	sdelay $0x3  }
.LBB2_1:
0x28: {  	[tilespmem:s3], [sflag:$0x2] =	stream.linear.gather [hbm4b:s4+s3], $0x80, $0x38;
	[tilespmem:$0x10780] =	vst v63  }
0x29: {  	_ =	swait.ge [sflag:s16], $0x80  }
0x2a: {  	[sflag:s16] =	ssyncset.done $0x0  }
0x2b: {  	[sflag:s16] =	ssyncadd.s32 $0xFFFFFF80  }
0x2c: {  	[tilespmem:s17], [sflag:$0x2] =	stream.linear.gather [hbm4b:s5+s3], $0x80, $0x38;
	[tilespmem:$0x10780] =	vst v63  }
0x2d: {  	_ =	swait.ge [sflag:s16], $0x80  }
0x2e: {  	[sflag:s16] =	ssyncset.done $0x0  }
0x2f: {  	[sflag:s16] =	ssyncadd.s32 $0xFFFFFF80  }
0x30: {  	v5 =	vld [tilespmem:$0x0];
	_ =	sdelay $0x4  }
0x31: {  	v6 =	vshll.u32 v5, $0x1  }
0x32: {  	v5 =	vand.u32 $0x7, v5;
	v6 =	vand.u32 $0xFFFFFFF0, v6  }
0x33: {  	v5 =	vor.u32 v5, v6  }
0x34: {  	v6 =	vperm.xlane v5, v0;
	_ =	sdelay $0x1  }
0x35: {  	v5 =	vperm.xlane v5, v2;
	v6 =	vadd.s32 v1, v6;
	_ =	sdelay $0x1  }
0x36: {  	v5 =	vadd.s32 v1, v5;
	_ =	sdelay $0x2  }
0x37: {  	[tilespmem:s18], [sflag:$0x1] =	stream.indirect_vreg.gather [hbm4b:s1+s3], $0x80, v6, vm0, $0xb8;
	[tilespmem:$0x10780] =	vst v63  }
0x38: {  	_ = 	snop  }
0x39: {  	[tilespmem:s8], [sflag:$0x1] =	stream.indirect_vreg.gather [hbm4b:s1+s3], $0x80, v5, vm0, $0xb8;
	[tilespmem:$0x10780] =	vst v63  }
0x3a: {  	v5 =	vld [tilespmem:$0x10];
	_ =	sdelay $0x4  }
0x3b: {  	v6 =	vshll.u32 v5, $0x1  }
0x3c: {  	v5 =	vand.u32 $0x7, v5;
	v6 =	vand.u32 $0xFFFFFFF0, v6  }
0x3d: {  	v5 =	vor.u32 v5, v6  }
0x3e: {  	v6 =	vperm.xlane v5, v0;
	_ =	sdelay $0x1  }
0x3f: {  	v5 =	vperm.xlane v5, v2;
	v6 =	vadd.s32 v1, v6;
	_ =	sdelay $0x1  }
0x40: {  	v5 =	vadd.s32 v1, v5;
	_ =	sdelay $0x2  }
0x41: {  	[tilespmem:s9], [sflag:$0x1] =	stream.indirect_vreg.gather [hbm4b:s1+s3], $0x80, v6, vm0, $0xb8;
	[tilespmem:$0x10780] =	vst v63  }
0x42: {  	s10 =	simm.s32 $0x1900  }
0x43: {  	[tilespmem:s10], [sflag:$0x1] =	stream.indirect_vreg.gather [hbm4b:s1+s3], $0x80, v5, vm0, $0xb8;
	[tilespmem:$0x10780] =	vst v63  }
0x44: {  	v5 =	vld [tilespmem:$0x20];
	_ =	sdelay $0x4  }
0x45: {  	v6 =	vshll.u32 v5, $0x1  }
0x46: {  	v5 =	vand.u32 $0x7, v5;
	v6 =	vand.u32 $0xFFFFFFF0, v6  }
0x47: {  	v5 =	vor.u32 v5, v6  }
0x48: {  	v6 =	vperm.xlane v5, v0;
	_ =	sdelay $0x1  }
0x49: {  	v5 =	vperm.xlane v5, v2;
	v6 =	vadd.s32 v1, v6;
	_ =	sdelay $0x1  }
0x4a: {  	v5 =	vadd.s32 v1, v5;
	_ =	sdelay $0x1  }
0x4b: {  	s10 =	simm.s32 $0x2100  }
0x4c: {  	[tilespmem:s10], [sflag:$0x1] =	stream.indirect_vreg.gather [hbm4b:s1+s3], $0x80, v6, vm0, $0xb8;
	[tilespmem:$0x10780] =	vst v63  }
0x4d: {  	s10 =	simm.s32 $0x2900  }
0x4e: {  	[tilespmem:s10], [sflag:$0x1] =	stream.indirect_vreg.gather [hbm4b:s1+s3], $0x80, v5, vm0, $0xb8;
	[tilespmem:$0x10780] =	vst v63  }
0x4f: {  	v5 =	vld [tilespmem:$0x30];
	_ =	sdelay $0x4  }
0x50: {  	v6 =	vshll.u32 v5, $0x1  }
0x51: {  	v5 =	vand.u32 $0x7, v5;
	v6 =	vand.u32 $0xFFFFFFF0, v6  }
0x52: {  	v5 =	vor.u32 v5, v6  }
0x53: {  	v6 =	vperm.xlane v5, v0;
	_ =	sdelay $0x1  }
0x54: {  	v5 =	vperm.xlane v5, v2;
	v6 =	vadd.s32 v1, v6;
	_ =	sdelay $0x1  }
0x55: {  	v5 =	vadd.s32 v1, v5;
	_ =	sdelay $0x1  }
0x56: {  	s10 =	simm.s32 $0x3100  }
0x57: {  	[tilespmem:s10], [sflag:$0x1] =	stream.indirect_vreg.gather [hbm4b:s1+s3], $0x80, v6, vm0, $0xb8;
	[tilespmem:$0x10780] =	vst v63  }
0x58: {  	s10 =	simm.s32 $0x3900  }
0x59: {  	[tilespmem:s10], [sflag:$0x1] =	stream.indirect_vreg.gather [hbm4b:s1+s3], $0x80, v5, vm0, $0xb8;
	[tilespmem:$0x10780] =	vst v63  }
0x5a: {  	v5 =	vld [tilespmem:$0x40];
	_ =	sdelay $0x4  }
0x5b: {  	v6 =	vshll.u32 v5, $0x1  }
0x5c: {  	v5 =	vand.u32 $0x7, v5;
	v6 =	vand.u32 $0xFFFFFFF0, v6  }
0x5d: {  	v5 =	vor.u32 v5, v6  }
0x5e: {  	v6 =	vperm.xlane v5, v0;
	_ =	sdelay $0x1  }
0x5f: {  	v5 =	vperm.xlane v5, v2;
	v6 =	vadd.s32 v1, v6;
	_ =	sdelay $0x1  }
0x60: {  	v5 =	vadd.s32 v1, v5;
	_ =	sdelay $0x1  }
0x61: {  	s10 =	simm.s32 $0x4100  }
0x62: {  	[tilespmem:s10], [sflag:$0x1] =	stream.indirect_vreg.gather [hbm4b:s1+s3], $0x80, v6, vm0, $0xb8;
	[tilespmem:$0x10780] =	vst v63  }
0x63: {  	s10 =	simm.s32 $0x4900  }
0x64: {  	[tilespmem:s10], [sflag:$0x1] =	stream.indirect_vreg.gather [hbm4b:s1+s3], $0x80, v5, vm0, $0xb8;
	[tilespmem:$0x10780] =	vst v63  }
0x65: {  	v5 =	vld [tilespmem:$0x50];
	_ =	sdelay $0x4  }
0x66: {  	v6 =	vshll.u32 v5, $0x1  }
0x67: {  	v5 =	vand.u32 $0x7, v5;
	v6 =	vand.u32 $0xFFFFFFF0, v6  }
0x68: {  	v5 =	vor.u32 v5, v6  }
0x69: {  	v6 =	vperm.xlane v5, v0;
	_ =	sdelay $0x1  }
0x6a: {  	v5 =	vperm.xlane v5, v2;
	v6 =	vadd.s32 v1, v6;
	_ =	sdelay $0x1  }
0x6b: {  	v5 =	vadd.s32 v1, v5;
	_ =	sdelay $0x1  }
0x6c: {  	s10 =	simm.s32 $0x5100  }
0x6d: {  	[tilespmem:s10], [sflag:$0x1] =	stream.indirect_vreg.gather [hbm4b:s1+s3], $0x80, v6, vm0, $0xb8;
	[tilespmem:$0x10780] =	vst v63  }
0x6e: {  	s10 =	simm.s32 $0x5900  }
0x6f: {  	[tilespmem:s10], [sflag:$0x1] =	stream.indirect_vreg.gather [hbm4b:s1+s3], $0x80, v5, vm0, $0xb8;
	[tilespmem:$0x10780] =	vst v63  }
0x70: {  	v5 =	vld [tilespmem:$0x60];
	_ =	sdelay $0x4  }
0x71: {  	v6 =	vshll.u32 v5, $0x1  }
0x72: {  	v5 =	vand.u32 $0x7, v5;
	v6 =	vand.u32 $0xFFFFFFF0, v6  }
0x73: {  	v5 =	vor.u32 v5, v6  }
0x74: {  	v6 =	vperm.xlane v5, v0;
	_ =	sdelay $0x1  }
0x75: {  	v5 =	vperm.xlane v5, v2;
	v6 =	vadd.s32 v1, v6;
	_ =	sdelay $0x1  }
0x76: {  	v5 =	vadd.s32 v1, v5;
	_ =	sdelay $0x1  }
0x77: {  	s10 =	simm.s32 $0x6100  }
0x78: {  	[tilespmem:s10], [sflag:$0x1] =	stream.indirect_vreg.gather [hbm4b:s1+s3], $0x80, v6, vm0, $0xb8;
	[tilespmem:$0x10780] =	vst v63  }
0x79: {  	s10 =	simm.s32 $0x6900  }
0x7a: {  	[tilespmem:s10], [sflag:$0x1] =	stream.indirect_vreg.gather [hbm4b:s1+s3], $0x80, v5, vm0, $0xb8;
	[tilespmem:$0x10780] =	vst v63  }
0x7b: {  	v5 =	vld [tilespmem:$0x70];
	_ =	sdelay $0x4  }
0x7c: {  	v6 =	vshll.u32 v5, $0x1  }
0x7d: {  	v5 =	vand.u32 $0x7, v5;
	v6 =	vand.u32 $0xFFFFFFF0, v6  }
0x7e: {  	v5 =	vor.u32 v5, v6  }
0x7f: {  	v6 =	vperm.xlane v5, v0;
	_ =	sdelay $0x1  }
0x80: {  	v5 =	vperm.xlane v5, v2;
	v6 =	vadd.s32 v1, v6;
	_ =	sdelay $0x1  }
0x81: {  	v5 =	vadd.s32 v1, v5;
	_ =	sdelay $0x1  }
0x82: {  	s10 =	simm.s32 $0x7100  }
0x83: {  	[tilespmem:s10], [sflag:$0x1] =	stream.indirect_vreg.gather [hbm4b:s1+s3], $0x80, v6, vm0, $0xb8;
	[tilespmem:$0x10780] =	vst v63  }
0x84: {  	s10 =	simm.s32 $0x7900  }
0x85: {  	[tilespmem:s10], [sflag:$0x1] =	stream.indirect_vreg.gather [hbm4b:s1+s3], $0x80, v5, vm0, $0xb8;
	[tilespmem:$0x10780] =	vst v63  }
0x86: {  	v5 =	vld [tilespmem:$0x80];
	_ =	sdelay $0x4  }
0x87: {  	v6 =	vshll.u32 v5, $0x1  }
0x88: {  	v5 =	vand.u32 $0x7, v5;
	v6 =	vand.u32 $0xFFFFFFF0, v6  }
0x89: {  	v5 =	vor.u32 v5, v6  }
0x8a: {  	v6 =	vperm.xlane v5, v0;
	_ =	sdelay $0x1  }
0x8b: {  	v5 =	vperm.xlane v5, v2;
	v6 =	vadd.s32 v1, v6;
	_ =	sdelay $0x1  }
0x8c: {  	v5 =	vadd.s32 v1, v5;
	_ =	sdelay $0x1  }
0x8d: {  	s10 =	simm.s32 $0x8100  }
0x8e: {  	[tilespmem:s10], [sflag:$0x1] =	stream.indirect_vreg.gather [hbm4b:s1+s3], $0x80, v6, vm0, $0xb8;
	[tilespmem:$0x10780] =	vst v63  }
0x8f: {  	s10 =	simm.s32 $0x8900  }
0x90: {  	[tilespmem:s10], [sflag:$0x1] =	stream.indirect_vreg.gather [hbm4b:s1+s3], $0x80, v5, vm0, $0xb8;
	[tilespmem:$0x10780] =	vst v63  }
0x91: {  	v5 =	vld [tilespmem:$0x90];
	_ =	sdelay $0x4  }
0x92: {  	v6 =	vshll.u32 v5, $0x1  }
0x93: {  	v5 =	vand.u32 $0x7, v5;
	v6 =	vand.u32 $0xFFFFFFF0, v6  }
0x94: {  	v5 =	vor.u32 v5, v6  }
0x95: {  	v6 =	vperm.xlane v5, v0;
	_ =	sdelay $0x1  }
0x96: {  	v5 =	vperm.xlane v5, v2;
	v6 =	vadd.s32 v1, v6;
	_ =	sdelay $0x1  }
0x97: {  	v5 =	vadd.s32 v1, v5;
	_ =	sdelay $0x2  }
0x98: {  	[tilespmem:s11], [sflag:$0x1] =	stream.indirect_vreg.gather [hbm4b:s1+s3], $0x80, v6, vm0, $0xb8;
	[tilespmem:$0x10780] =	vst v63  }
0x99: {  	_ = 	snop  }
0x9a: {  	[tilespmem:s12], [sflag:$0x1] =	stream.indirect_vreg.gather [hbm4b:s1+s3], $0x80, v5, vm0, $0xb8;
	[tilespmem:$0x10780] =	vst v63  }
0x9b: {  	v5 =	vld [tilespmem:$0xA0];
	_ =	sdelay $0x4  }
0x9c: {  	v6 =	vshll.u32 v5, $0x1  }
0x9d: {  	v5 =	vand.u32 $0x7, v5;
	v6 =	vand.u32 $0xFFFFFFF0, v6  }
0x9e: {  	v5 =	vor.u32 v5, v6  }
0x9f: {  	v6 =	vperm.xlane v5, v0;
	_ =	sdelay $0x1  }
0xa0: {  	v5 =	vperm.xlane v5, v2;
	v6 =	vadd.s32 v1, v6;
	_ =	sdelay $0x1  }
0xa1: {  	v5 =	vadd.s32 v1, v5;
	_ =	sdelay $0x2  }
0xa2: {  	[tilespmem:s13], [sflag:$0x1] =	stream.indirect_vreg.gather [hbm4b:s1+s3], $0x80, v6, vm0, $0xb8;
	[tilespmem:$0x10780] =	vst v63  }
0xa3: {  	_ = 	snop  }
0xa4: {  	[tilespmem:s14], [sflag:$0x1] =	stream.indirect_vreg.gather [hbm4b:s1+s3], $0x80, v5, vm0, $0xb8;
	[tilespmem:$0x10780] =	vst v63  }
0xa5: {  	v5 =	vld [tilespmem:$0xB0];
	_ =	sdelay $0x4  }
0xa6: {  	v6 =	vshll.u32 v5, $0x1  }
0xa7: {  	v5 =	vand.u32 $0x7, v5;
	v6 =	vand.u32 $0xFFFFFFF0, v6  }
0xa8: {  	v5 =	vor.u32 v5, v6  }
0xa9: {  	v6 =	vperm.xlane v5, v0;
	_ =	sdelay $0x1  }
0xaa: {  	v5 =	vperm.xlane v5, v2;
	v6 =	vadd.s32 v1, v6;
	_ =	sdelay $0x1  }
0xab: {  	v5 =	vadd.s32 v1, v5;
	_ =	sdelay $0x2  }
0xac: {  	[tilespmem:s19], [sflag:$0x1] =	stream.indirect_vreg.gather [hbm4b:s1+s3], $0x80, v6, vm0, $0xb8;
	[tilespmem:$0x10780] =	vst v63  }
0xad: {  	_ = 	snop  }
0xae: {  	[tilespmem:s20], [sflag:$0x1] =	stream.indirect_vreg.gather [hbm4b:s1+s3], $0x80, v5, vm0, $0xb8;
	[tilespmem:$0x10780] =	vst v63  }
0xaf: {  	v5 =	vld [tilespmem:$0xC0];
	_ =	sdelay $0x4  }
0xb0: {  	v6 =	vshll.u32 v5, $0x1  }
0xb1: {  	v5 =	vand.u32 $0x7, v5;
	v6 =	vand.u32 $0xFFFFFFF0, v6  }
0xb2: {  	v5 =	vor.u32 v5, v6  }
0xb3: {  	v6 =	vperm.xlane v5, v0;
	_ =	sdelay $0x1  }
0xb4: {  	v5 =	vperm.xlane v5, v2;
	v6 =	vadd.s32 v1, v6;
	_ =	sdelay $0x1  }
0xb5: {  	v5 =	vadd.s32 v1, v5;
	_ =	sdelay $0x2  }
0xb6: {  	[tilespmem:s21], [sflag:$0x1] =	stream.indirect_vreg.gather [hbm4b:s1+s3], $0x80, v6, vm0, $0xb8;
	[tilespmem:$0x10780] =	vst v63  }
0xb7: {  	_ = 	snop  }
0xb8: {  	[tilespmem:s22], [sflag:$0x1] =	stream.indirect_vreg.gather [hbm4b:s1+s3], $0x80, v5, vm0, $0xb8;
	[tilespmem:$0x10780] =	vst v63  }
0xb9: {  	v5 =	vld [tilespmem:$0xD0];
	_ =	sdelay $0x4  }
0xba: {  	v6 =	vshll.u32 v5, $0x1  }
0xbb: {  	v5 =	vand.u32 $0x7, v5;
	v6 =	vand.u32 $0xFFFFFFF0, v6  }
0xbc: {  	v5 =	vor.u32 v5, v6  }
0xbd: {  	v6 =	vperm.xlane v5, v0;
	_ =	sdelay $0x1  }
0xbe: {  	v5 =	vperm.xlane v5, v2;
	v6 =	vadd.s32 v1, v6;
	_ =	sdelay $0x1  }
0xbf: {  	v5 =	vadd.s32 v1, v5;
	_ =	sdelay $0x2  }
0xc0: {  	[tilespmem:s23], [sflag:$0x1] =	stream.indirect_vreg.gather [hbm4b:s1+s3], $0x80, v6, vm0, $0xb8;
	[tilespmem:$0x10780] =	vst v63  }
0xc1: {  	_ = 	snop  }
0xc2: {  	[tilespmem:s24], [sflag:$0x1] =	stream.indirect_vreg.gather [hbm4b:s1+s3], $0x80, v5, vm0, $0xb8;
	[tilespmem:$0x10780] =	vst v63  }
0xc3: {  	v5 =	vld [tilespmem:$0xE0];
	_ =	sdelay $0x4  }
0xc4: {  	v6 =	vshll.u32 v5, $0x1  }
0xc5: {  	v5 =	vand.u32 $0x7, v5;
	v6 =	vand.u32 $0xFFFFFFF0, v6  }
0xc6: {  	v5 =	vor.u32 v5, v6  }
0xc7: {  	v6 =	vperm.xlane v5, v0;
	_ =	sdelay $0x1  }
0xc8: {  	v5 =	vperm.xlane v5, v2;
	v6 =	vadd.s32 v1, v6;
	_ =	sdelay $0x1  }
0xc9: {  	v5 =	vadd.s32 v1, v5;
	_ =	sdelay $0x2  }
0xca: {  	[tilespmem:s25], [sflag:$0x1] =	stream.indirect_vreg.gather [hbm4b:s1+s3], $0x80, v6, vm0, $0xb8;
	[tilespmem:$0x10780] =	vst v63  }
0xcb: {  	_ = 	snop  }
0xcc: {  	[tilespmem:s26], [sflag:$0x1] =	stream.indirect_vreg.gather [hbm4b:s1+s3], $0x80, v5, vm0, $0xb8;
	[tilespmem:$0x10780] =	vst v63  }
0xcd: {  	v5 =	vld [tilespmem:$0xF0];
	_ =	sdelay $0x4  }
0xce: {  	v6 =	vshll.u32 v5, $0x1  }
0xcf: {  	v5 =	vand.u32 $0x7, v5;
	v6 =	vand.u32 $0xFFFFFFF0, v6  }
0xd0: {  	v5 =	vor.u32 v5, v6  }
0xd1: {  	v6 =	vperm.xlane v5, v0;
	_ =	sdelay $0x1  }
0xd2: {  	v5 =	vperm.xlane v5, v2;
	v6 =	vadd.s32 v1, v6;
	_ =	sdelay $0x1  }
0xd3: {  	v5 =	vadd.s32 v1, v5;
	_ =	sdelay $0x2  }
0xd4: {  	[tilespmem:s28], [sflag:$0x1] =	stream.indirect_vreg.gather [hbm4b:s1+s3], $0x80, v6, vm0, $0xb8;
	[tilespmem:$0x10780] =	vst v63  }
0xd5: {  	_ = 	snop  }
0xd6: {  	[tilespmem:s29], [sflag:$0x1] =	stream.indirect_vreg.gather [hbm4b:s1+s3], $0x80, v5, vm0, $0xb8;
	[tilespmem:$0x10780] =	vst v63  }
0xd7: {  	_ =	swait.ge [sflag:s30], $0x8000  }
0xd8: {  	[sflag:s30] =	ssyncset.done $0x0  }
0xd9: {  	[sflag:s30] =	ssyncadd.s32 $0xFFFF8000  }
0xda: {  	_ =	swait.ge [sflag:s30], $0x8000  }
0xdb: {  	[sflag:s30] =	ssyncset.done $0x0  }
0xdc: {  	[sflag:s30] =	ssyncadd.s32 $0xFFFF8000  }
0xdd: {  	[hbm4b:s6+s3] =	stream.linear.scatter [tilespmem:s18], [sflag:$0x2], $0x10000, $0x38;
	[tilespmem:$0x10780] =	vst v63  }
0xde: {  	_ =	swait.ge [sflag:s16], $0x10000  }
0xdf: {  	[sflag:s16] =	ssyncset.done $0x0  }
0xe0: {  	[sflag:s16] =	ssyncadd.s32 $0xFFFF0000  }
0xe1: {  	[tilespmem:$0x10100] =	vst v3  }
0xe2: {  	[tilespmem:$0x10110] =	vst v3  }
0xe3: {  	[tilespmem:$0x10120] =	vst v3  }
.Ltmp2:
0xe4: {  	[tilespmem:$0x10130] =	vst v3;
	(pc) =	sbr.rel @p0 .LBB2_5-.Ltmp2, $4  }
0xe5: {  	[tilespmem:$0x10140] =	vst v3  }
0xe6: {  	[tilespmem:$0x10150] =	vst v3  }
0xe7: {  	[tilespmem:$0x10160] =	vst v3  }
0xe8: {  	[tilespmem:$0x10170] =	vst v3  }
0xe9: {  	s8 =	simm.s32 $0x40;
	s9 =	simm.s32 $0x0  }
.LBB2_3:
0xea: {  	p1 =	sne.s32 s8, $0xFC0;
	[tilespmem:s9+$0x10180] =	vst v4;
	s9 =	smov.u32 s8;
	s8 =	sadd.s32 $0x40, s8  }
.Ltmp3:
0xeb: {  	(pc) =	sbr.rel @p1 .LBB2_3-.Ltmp3, $2  }
0xec: {  	_ =	sdelay $0x2  }
0xed: {  	s9 =	sshra.s32 s9, $0x2  }
0xee: {  	[tilespmem:s9+$0x10180] =	vst v4  }
0xef: {  	[spmem:s2] =	stream.linear.scatter [tilespmem:s31], [sflag:$0x2], $0x400, $0x38;
	[tilespmem:$0x10780] =	vst v63  }
0xf0: {  	_ =	swait.ge [sflag:s16], $0x400  }
0xf1: {  	[sflag:s16] =	ssyncset.done $0x0  }
0xf2: {  	s8 =	rddreg [dreg:$0x5];
	[sflag:s16] =	ssyncadd.s32 $0xFFFFFC00  }
0xf3: {  	[spmem:s8] =	stream.linear.scatter [tilespmem:s31], [sflag:$0x2], $0x400, $0x38;
	[tilespmem:$0x10780] =	vst v63  }
0xf4: {  	_ =	swait.ge [sflag:s16], $0x400  }
0xf5: {  	[sflag:s16] =	ssyncset.done $0x0  }
0xf6: {  	s11 =	rddreg [dreg:$0x6];
	[sflag:s16] =	ssyncadd.s32 $0xFFFFFC00  }
0xf7: {  	[spmem:s11] =	stream.linear.scatter [tilespmem:s31], [sflag:$0x2], $0x400, $0x38;
	[tilespmem:$0x10780] =	vst v63  }
0xf8: {  	_ =	swait.ge [sflag:s16], $0x400  }
0xf9: {  	[sflag:s16] =	ssyncset.done $0x0  }
0xfa: {  	s12 =	rddreg [dreg:$0x7];
	[sflag:s16] =	ssyncadd.s32 $0xFFFFFC00  }
0xfb: {  	[spmem:s12] =	stream.linear.scatter [tilespmem:s31], [sflag:$0x2], $0x400, $0x38;
	[tilespmem:$0x10780] =	vst v63  }
0xfc: {  	_ =	swait.ge [sflag:s16], $0x400  }
0xfd: {  	[sflag:s16] =	ssyncset.done $0x0  }
0xfe: {  	s9 =	rddreg [dreg:$0x8];
	[sflag:s16] =	ssyncadd.s32 $0xFFFFFC00  }
0xff: {  	[spmem:s9] =	stream.linear.scatter [tilespmem:s31], [sflag:$0x2], $0x400, $0x38;
	[tilespmem:$0x10780] =	vst v63  }
0x100: {  	_ =	swait.ge [sflag:s16], $0x400  }
0x101: {  	[sflag:s16] =	ssyncset.done $0x0  }
0x102: {  	s10 =	rddreg [dreg:$0x9];
	[sflag:s16] =	ssyncadd.s32 $0xFFFFFC00  }
0x103: {  	[spmem:s10] =	stream.linear.scatter [tilespmem:s31], [sflag:$0x2], $0x400, $0x38;
	[tilespmem:$0x10780] =	vst v63  }
0x104: {  	_ =	swait.ge [sflag:s16], $0x400  }
0x105: {  	[sflag:s16] =	ssyncset.done $0x0  }
0x106: {  	s11 =	rddreg [dreg:$0xa];
	[sflag:s16] =	ssyncadd.s32 $0xFFFFFC00  }
0x107: {  	[spmem:s11] =	stream.linear.scatter [tilespmem:s31], [sflag:$0x2], $0x400, $0x38;
	[tilespmem:$0x10780] =	vst v63  }
0x108: {  	_ =	swait.ge [sflag:s16], $0x400  }
0x109: {  	[sflag:s16] =	ssyncset.done $0x0  }
0x10a: {  	s12 =	rddreg [dreg:$0xb];
	[sflag:s16] =	ssyncadd.s32 $0xFFFFFC00  }
0x10b: {  	[spmem:s12] =	stream.linear.scatter [tilespmem:s31], [sflag:$0x2], $0x400, $0x38;
	[tilespmem:$0x10780] =	vst v63  }
0x10c: {  	_ =	swait.ge [sflag:s16], $0x400  }
0x10d: {  	[sflag:s16] =	ssyncset.done $0x0  }
0x10e: {  	[sflag:s16] =	ssyncadd.s32 $0xFFFFFC00  }
0x10f: {  	[bflag:$0x0] =	sbarrier.arrive $0xFFFF  }
0x110: {  	[spmem:s2] =	stream.indirect.scatter.add.f32 [tilespmem:s0], [sflag:$0x2], $0x1, s3, s17, $0xb8;
	[tilespmem:$0x10780] =	vst v63  }
0x111: {  	_ =	swait.ge [sflag:s16], $0x80  }
0x112: {  	[sflag:s16] =	ssyncset.done $0x0  }
0x113: {  	[sflag:s16] =	ssyncadd.s32 $0xFFFFFF80  }
0x114: {  	[spmem:s2] =	stream.indirect.scatter.add.f32 [tilespmem:s0], [sflag:$0x2], $0x1, s17, s17, $0xb8;
	[tilespmem:$0x10780] =	vst v63  }
0x115: {  	_ =	swait.ge [sflag:s16], $0x80  }
0x116: {  	[sflag:s16] =	ssyncset.done $0x0  }
0x117: {  	s8 =	sshrl.u32 s2, $0x3;
	[sflag:s16] =	ssyncadd.s32 $0xFFFFFF80  }
0x118: {  	s10 =	simm.s32 $0x20;
	s11 =	simm.s32 $0x10;
	[bflag:$0x0] =	sbarrier.arrive $0xFFFF  }
.Ltmp4:
0x119: {  	s12 =	simm.s32 $0x1C02;
	s9 =	rddreg [dreg:$0xc];
	(pc) =	sbr.rel .LBB2_6-.Ltmp4, $4  }
0x11a: {  	[hbm:s9@s10], [sflag:s12] =	dma.strided [spmem:s8@s11], $0x400, s30, $0x10   }
0x11b: {  	_ =	swait.ge [sflag:s16], $0x400  }
0x11c: {  	s8 =	simm.s32 $0x900;
	s9 =	simm.s32 $0x1100;
	[sflag:s16] =	ssyncset.done $0x0  }
0x11d: {  	s11 =	simm.s32 $0x9100;
	s12 =	simm.s32 $0x9900;
	[sflag:s16] =	ssyncadd.s32 $0xFFFFFC00  }
.LBB2_7:
0x11e: {  	_ =	sfence.sel $0x180000  }
0x11f: {  	[bflag:$0x0] =	sbarrier.arrive $0xFFFF  }
0x120: {  	_ =	strace $0x90000047  }
0x121: {  	[bflag:$0x2] =	sbarrier.arrive $0xFFFF  }
0x122: {  	s0 =	rddreg [dreg:$0x4]  }
0x123: {  	s0 =	sadd.s32 @!p0 $0x100000, s0  }
0x124: {  	[sflag:s0] =	ssyncadd.tile.s32 @!p0 $0x1;
	_ =	shalt  }
.Lfunc_end2:
_tile_overlayer_lowered:
.L_overlay_start_2:
0x125: {  	(tag) =	ssettag $0x2  }
0x126: {  	s0 =	rddreg [dreg:$0x0];
	s2 =	stileid.u32  }
0x127: {  	s1 =	rddreg [dreg:$0x1];
	p0 =	sne.s32 s2, $0x0  }
0x128: {  	s3 =	rddreg [dreg:$0x2];
	[bflag:$0x3] =	sbarrier.arrive $0xFFFF;
	s2 =	simm.s32 @!p0 $0x1C02  }
0x129: {  	[timem:s3], [sflag:s2] =	dma.local @!p0 [hbm:s0], s1  }
0x12a: {  	s0 =	simm.s32 @!p0 $0x2  }
0x12b: {  	_ =	swait.ge @!p0 [sflag:s0], s1  }
0x12c: {  	s1 =	ssub.s32 @!p0 $0x0, s1;
	[sflag:s0] =	ssyncset.done @!p0 $0x0  }
0x12d: {  	[sflag:s0] =	ssyncadd.s32 @!p0 s1  }
0x12e: {  	[bflag:$0x3] =	sbarrier.arrive $0xFFFF  }
0x12f: {  	_ =	shalt  }

</sc_bundles>
